<compile_context>
chip_gen: v7x
topology: tpu7x:2x2x1
jax: 0.10.2.dev20260603
libtpu: 0.0.44.dev20260713+nightly
codegen_flags: <defaults>
</compile_context>

<pallas_src>
import functools

import jax
import jax.numpy as jnp
from jax import lax
from jax.experimental import pallas as pl
from jax.experimental.pallas import tpu as pltpu
from jax.experimental.pallas import tpu_sc as plsc

B = 1024
M = 100000
LOC = 128
SEN = 64
ACT = 8
HID = 256
G = 8

C = 16
BM = 2048
MPAD = 100352
NCH = MPAD // C
NBLK = MPAD // BM
CPB = BM // C
NEG = float("-inf")

def _pc(body, grid, in_specs, out_specs, out_shape):
    return pl.pallas_call(
        body, grid=grid, in_specs=in_specs, out_specs=out_specs,
        out_shape=out_shape)


def _k1_body(sens_ref, keys_ref, validf_ref, cm_ref, okeys_ref, keys2_ref):
    i = pl.program_id(0)
    s = sens_ref[...]
    k = keys_ref[...]
    scores = lax.dot_general(s, k, (((1,), (1,)), ((), ())),
                             preferred_element_type=jnp.float32)
    v = validf_ref[...]
    masked = jnp.where(v > 0.0, scores, NEG)
    acc = masked[:, 0:CPB]
    for t in range(1, C):
        acc = jnp.maximum(acc, masked[:, t * CPB:(t + 1) * CPB])
    cm_ref[...] = acc
    okeys_ref[...] = k

    @pl.when(i == 0)
    def _():
        okeys_ref[0:B, :] = s

    bias_col = jnp.transpose(jnp.where(v > 0.0, 0.0, -1e30))
    keys2_ref[...] = jnp.concatenate(
        [k, bias_col, jnp.zeros((BM, LOC - SEN - 1), jnp.float32)], axis=1)


def _run_k1(sensory, mem_keys, validf):
    return _pc(
        _k1_body, (NBLK,),
        [
            pl.BlockSpec((B, SEN), lambda i: (0, 0)),
            pl.BlockSpec((BM, SEN), lambda i: (i, 0)),
            pl.BlockSpec((1, BM), lambda i: (0, i)),
        ],
        [
            pl.BlockSpec((B, CPB), lambda i: (0, i)),
            pl.BlockSpec((BM, SEN), lambda i: (i, 0)),
            pl.BlockSpec((BM, LOC), lambda i: (i, 0)),
        ],
        [
            jax.ShapeDtypeStruct((B, NCH), jnp.float32),
            jax.ShapeDtypeStruct((M, SEN), jnp.float32),
            jax.ShapeDtypeStruct((M, LOC), jnp.float32),
        ],
    )(sensory, mem_keys, validf)


_RB = 256


def _k2_body(cm_ref, ids_ref):
    x = cm_ref[...]
    iota = lax.broadcasted_iota(jnp.int32, x.shape, 1)
    cols = lax.broadcasted_iota(jnp.int32, (_RB, 128), 1)
    acc = jnp.zeros((_RB, 128), jnp.int32)
    for g in range(G):
        m = jnp.max(x, axis=1, keepdims=True)
        hit = x == m
        pos = jnp.min(jnp.where(hit, iota, jnp.int32(2**30)),
                      axis=1, keepdims=True)
        acc = jnp.where(cols == g, pos, acc)
        x = jnp.where(hit, NEG, x)
    ids_ref[...] = acc


def _run_k2(cm):
    return _pc(
        _k2_body, (B // _RB,),
        [pl.BlockSpec((_RB, NCH), lambda i: (i, 0))],
        pl.BlockSpec((_RB, 128), lambda i: (i, 0)),
        jax.ShapeDtypeStruct((B, 128), jnp.int32),
    )(cm)


_RB4 = 128


def _k4_body(ck_ref, gid_ref, sens_ref, sel_ref):
    ck = ck_ref[...].reshape(_RB4, G * C, LOC)
    s = sens_ref[...]
    s128 = jnp.concatenate(
        [s, jnp.ones((_RB4, 1), jnp.float32),
         jnp.zeros((_RB4, LOC - SEN - 1), jnp.float32)], axis=1)
    cs = jnp.sum(ck * s128[:, None, :], axis=-1)
    gids = gid_ref[...]
    cs = jnp.where(gids < M, cs, NEG)
    cols = lax.broadcasted_iota(jnp.int32, (_RB4, 128), 1)
    acc = jnp.zeros((_RB4, 128), jnp.int32)
    fcnt = jnp.zeros((_RB4, 1), jnp.int32)
    for g in range(G):
        m = jnp.max(cs, axis=1, keepdims=True)
        hit = cs == m
        gid = jnp.min(jnp.where(hit, gids, jnp.int32(2**30)),
                      axis=1, keepdims=True)
        acc = jnp.where(cols == g, gid, acc)
        fcnt = fcnt + (m > -1e29).astype(jnp.int32)
        cs = jnp.where(hit, NEG, cs)
    acc = jnp.where(cols == G, fcnt, acc)
    sel_ref[...] = acc


def _run_k4(candkeys2d, gids, sensory):
    return _pc(
        _k4_body, (B // _RB4,),
        [
            pl.BlockSpec((_RB4 * G * C, LOC), lambda i: (i, 0)),
            pl.BlockSpec((_RB4, G * C), lambda i: (i, 0)),
            pl.BlockSpec((_RB4, SEN), lambda i: (i, 0)),
        ],
        pl.BlockSpec((_RB4, 128), lambda i: (i, 0)),
        jax.ShapeDtypeStruct((B, 128), jnp.int32),
    )(candkeys2d, gids, sensory)


def _k6_body(loc_ref, act_ref, hdg_ref, w1a_ref, w1b_ref, b1_ref, w2_ref,
             b2_ref, v1a_ref, v1b_ref, v2_ref, v2b_ref, vs_ref, n1_ref,
             n2_ref, gss_ref, sel_ref, nloc_ref, obj_ref, lp_ref):
    f32 = jnp.float32

    def mm(a, b):
        return lax.dot_general(a, b, (((1,), (0,)), ((), ())),
                               preferred_element_type=f32)

    w1a, w1b, b1 = w1a_ref[...], w1b_ref[...], b1_ref[...]
    w2, b2 = w2_ref[...], b2_ref[...]
    v1a, v1b = v1a_ref[...], v1b_ref[...]
    v2, v2b = v2_ref[...], v2b_ref[...]
    vsc = vs_ref[...]

    def localizer(loc, act):
        h = jnp.maximum(mm(loc, w1a) + mm(act, w1b) + b1, 0.0)
        mean = mm(h, w2) + b2
        g = jnp.maximum(mm(mean, v1a) + v1b, 0.0)
        sd = jnp.exp(mm(g, v2) + v2b)
        sd = jnp.exp(vsc) * sd + 1e-6
        return mean, sd

    loc, act, hdg = loc_ref[...], act_ref[...], hdg_ref[...]
    n1, n2 = n1_ref[...], n2_ref[...]

    nl_mean, nl_sd = localizer(loc, act)
    nloc = nl_mean + n1 * nl_sd
    nloc_ref[...] = nloc
    nl_q = jnp.sum(((nloc - nl_mean) / nl_sd) ** 2, axis=-1, keepdims=True)
    nl_lp = -0.5 * jnp.mean(nl_q) - jnp.mean(
        jnp.sum(jnp.log(nl_sd), axis=-1, keepdims=True))

    exp_mean, exp_sd = localizer(nloc, hdg)

    found = sel_ref[...][:, G:G + 1]
    ignore = found == 0

    gss = gss_ref[...]
    esph = exp_mean / (jnp.sqrt(jnp.sum(exp_mean * exp_mean, axis=-1,
                                        keepdims=True)) + 1e-8)
    gnrm = jnp.sqrt(jnp.sum(gss * gss, axis=-1, keepdims=True))
    gsph = gss / (gnrm + 1e-8)
    matches = jnp.sum(gsph * esph[:, None, :], axis=-1)
    slot = lax.broadcasted_iota(jnp.int32, (B, G), 1)
    invalid = slot >= found
    matches = jnp.where(invalid, NEG, matches)
    mmax = jnp.max(matches, axis=-1, keepdims=True)
    unnorm = jnp.exp(matches - mmax)
    w = unnorm / jnp.sum(unnorm, axis=-1, keepdims=True)
    integrated = jnp.sum(w[:, :, None] * gss, axis=1)

    dz = -0.5 * ((integrated - exp_mean) / exp_sd)
    too_far = jnp.sqrt(jnp.sum(dz * dz, axis=-1, keepdims=True)) > 2.0
    expected = exp_mean + n2 * exp_sd
    cond = too_far | ignore | jnp.isnan(integrated)
    obj = jnp.where(cond, expected, integrated)
    obj_ref[...] = obj

    ob_q = jnp.sum(((obj - exp_mean) / exp_sd) ** 2, axis=-1, keepdims=True)
    obj_lp = -0.5 * jnp.mean(ob_q) - jnp.mean(
        jnp.sum(jnp.log(exp_sd), axis=-1, keepdims=True))
    lp_ref[...] = jnp.full((1, 128), nl_lp + obj_lp, f32)


def _run_k6(last_location, action, heading, W1, b1, W2, b2, V1, v1, V2, v2,
            vscale, noise1, noise2, guesses, sel):
    full = lambda s: pl.BlockSpec(s, lambda: tuple(0 for _ in s))
    args = (last_location, action, heading, W1[:LOC], W1[LOC:],
            b1.reshape(1, HID), W2, b2.reshape(1, LOC), V1[:LOC],
            v1.reshape(1, HID), V2, v2.reshape(1, LOC),
            vscale.reshape(1, LOC), noise1, noise2, guesses, sel)
    return _pc(
        _k6_body, (),
        [full(a.shape) for a in args],
        [full((B, LOC)), full((B, LOC)), full((1, 128))],
        [
            jax.ShapeDtypeStruct((B, LOC), jnp.float32),
            jax.ShapeDtypeStruct((B, LOC), jnp.float32),
            jax.ShapeDtypeStruct((1, 128), jnp.float32),
        ],
    )(*args)


_VB = 4000


def _k7_body(tab_ref, new_ref, out_ref):
    i = pl.program_id(0)
    out_ref[...] = tab_ref[...]

    @pl.when(i == 0)
    def _():
        out_ref[0:B, :] = new_ref[...]


def _run_k7(table, newrows, ncols):
    return _pc(
        _k7_body, (M // _VB,),
        [
            pl.BlockSpec((_VB, ncols), lambda i: (i, 0)),
            pl.BlockSpec((B, ncols), lambda i: (0, 0)),
        ],
        pl.BlockSpec((_VB, ncols), lambda i: (i, 0)),
        jax.ShapeDtypeStruct((M, ncols), jnp.float32),
    )(table, newrows)


_NW = 32


def _sc_gather(table, idx, ncols, chunk):
    nidx = idx.shape[0]
    per_w = nidx // _NW
    mesh = plsc.VectorSubcoreMesh(core_axis_name="c", subcore_axis_name="s")

    @functools.partial(
        pl.kernel, mesh=mesh,
        out_type=jax.ShapeDtypeStruct((nidx, ncols), jnp.float32),
        scratch_types=[
            pltpu.VMEM((chunk,), jnp.int32),
            pltpu.VMEM((chunk, ncols), jnp.float32),
            pltpu.SemaphoreType.DMA,
        ],
    )
    def gk(table_hbm, idx_hbm, out_hbm, idx_v, rows_v, sem):
        wid = lax.axis_index("s") * 2 + lax.axis_index("c")
        base = wid * per_w
        for b in range(per_w // chunk):
            off = base + b * chunk
            pltpu.sync_copy(idx_hbm.at[pl.ds(off, chunk)], idx_v)
            pltpu.async_copy(table_hbm.at[idx_v], rows_v, sem).wait()
            pltpu.sync_copy(rows_v, out_hbm.at[pl.ds(off, chunk)])

    return gk(table, idx)


def kernel(sensory, last_location, action, heading, W1, b1, W2, b2, V1, v1,
           V2, v2, vscale, mem_keys, mem_values, mem_valid):
    validf = jnp.pad(mem_valid.astype(jnp.float32), (0, MPAD - M))

    cm, new_mem_keys, keys2 = _run_k1(sensory, mem_keys,
                                      validf.reshape(1, MPAD))
    ids = _run_k2(cm)

    chunk_ids = ids[:, :G]
    blk, j = chunk_ids // CPB, chunk_ids % CPB
    gids = ((blk * BM + j)[:, :, None] +
            CPB * jnp.arange(C, dtype=jnp.int32)).reshape(B, G * C)
    gidc = jnp.minimum(gids, M - 1)
    candkeys2d = _sc_gather(keys2, gidc.reshape(-1), LOC, 512)

    sel = _run_k4(candkeys2d, gids, sensory)

    fidx = jnp.minimum(sel[:, :G], M - 1)
    guesses = _sc_gather(mem_values, fidx.reshape(-1),
                         LOC, B * G // _NW).reshape(B, G, LOC)

    noise1 = jax.random.normal(jax.random.fold_in(jax.random.key(42), 1),
                               (B, LOC), jnp.float32)
    noise2 = jax.random.normal(jax.random.fold_in(jax.random.key(42), 2),
                               (B, LOC), jnp.float32)

    next_location, obj, lp = _run_k6(
        last_location, action, heading, W1, b1, W2, b2, V1, v1, V2, v2,
        vscale, noise1, noise2, guesses, sel)

    new_mem_values = _run_k7(mem_values, obj, LOC)
    return (next_location, lp[0, 0], new_mem_keys, new_mem_values)

# --- scband reference (transcript-rebuilt; emitter-appended) ---
"""Pipeline reference for scband-temencoder-83107617177739 (READ-ONLY COPY).

The authoritative reference and input builder live on the scoring server;
editing this copy changes nothing except your own understanding.
"""

import jax, jax.numpy as jnp
import numpy as np

B = 1024
M = 100000
LOC = 128
SEN = 64
ACT = 8
HID = 256
G = 8


def _nrm(x):
    return x / (jnp.linalg.norm(x, axis=-1, keepdims=True) + 1e-8)


def setup_inputs(seed: int = 0) -> dict:
    key = jax.random.key(seed)
    ks = jax.random.split(key, 12)
    s = 0.05
    return {
        "sensory": jax.random.normal(ks[0], (B, SEN), jnp.float32),
        "last_location": jax.random.normal(ks[1], (B, LOC), jnp.float32),
        "action": jax.random.normal(ks[2], (B, ACT), jnp.float32),
        "heading": jax.random.normal(ks[3], (B, ACT), jnp.float32),
        "W1": jax.random.normal(ks[4], (LOC + ACT, HID), jnp.float32) * s,
        "b1": jnp.zeros((HID,), jnp.float32),
        "W2": jax.random.normal(ks[5], (HID, LOC), jnp.float32) * s,
        "b2": jnp.zeros((LOC,), jnp.float32),
        "V1": jax.random.normal(ks[6], (LOC, HID), jnp.float32) * s,
        "v1": jnp.zeros((HID,), jnp.float32),
        "V2": jax.random.normal(ks[7], (HID, LOC), jnp.float32) * s,
        "v2": jnp.zeros((LOC,), jnp.float32),
        "vscale": jnp.zeros((LOC,), jnp.float32),
        "mem_keys": jax.random.normal(ks[8], (M, SEN), jnp.float32),
        "mem_values": jax.random.normal(ks[9], (M, LOC), jnp.float32),
        "mem_valid": jax.random.uniform(ks[10], (M,)) > 0.3,
    }


def reference(sensory, last_location, action, heading, W1, b1, W2, b2, V1, v1, V2, v2, vscale, mem_keys, mem_values, mem_valid):
    def localizer(loc, act):
        h = jax.nn.relu(jnp.concatenate([loc, act], axis=1) @ W1 + b1)
        mean = h @ W2 + b2
        g = jax.nn.relu(mean @ V1 + v1)
        sd = jnp.exp(g @ V2 + v2)
        sd = jnp.exp(vscale) * sd + 1e-6
        return mean, sd

    # memory search: content-addressed score over the whole table + top-k gather
    scores = sensory @ mem_keys.T                      # [B, M]
    masked = jnp.where(mem_valid[None, :], scores, -jnp.inf)
    _, indices = jax.lax.top_k(masked, G)              # [B, G]
    location_guesses = jnp.take(mem_values, indices, axis=0)   # gather [B, G, LOC]
    found = jnp.sum(jnp.take(mem_valid, indices).astype(jnp.int32), axis=-1)

    # localizer step (next_location)
    nl_mean, nl_sd = localizer(last_location, action)
    noise1 = jax.random.normal(jax.random.fold_in(jax.random.key(42), 1), nl_mean.shape, jnp.float32)
    next_location = nl_mean + noise1 * nl_sd
    nl_lp = -0.5 * jnp.mean(jnp.sum(((next_location - nl_mean) / nl_sd) ** 2, axis=-1)) - jnp.mean(jnp.sum(jnp.log(nl_sd), axis=-1))

    exp_mean, exp_sd = localizer(next_location, heading)

    invalid = jnp.arange(G)[None, :] >= found[:, None]
    ignore = found == 0

    # select_location
    esph = _nrm(exp_mean)
    gsph = _nrm(location_guesses)
    matches = jnp.einsum('bgd,bd->bg', gsph, esph)
    matches = jnp.where(invalid, -jnp.inf, matches)
    w = jax.nn.softmax(matches, axis=-1)
    integrated = jnp.sum(w[..., :, None] * location_guesses, axis=-2)
    too_far = jnp.linalg.norm(-0.5 * ((integrated - exp_mean) / exp_sd), axis=-1) > 2.0
    noise2 = jax.random.normal(jax.random.fold_in(jax.random.key(42), 2), exp_mean.shape, jnp.float32)
    expected = exp_mean + noise2 * exp_sd
    cond = too_far[:, None] | ignore[:, None] | jnp.isnan(integrated)
    obj_location = jnp.where(cond, expected, integrated)
    obj_lp = -0.5 * jnp.mean(jnp.sum(((obj_location - exp_mean) / exp_sd) ** 2, axis=-1)) - jnp.mean(jnp.sum(jnp.log(exp_sd), axis=-1))

    # memory write (scatter-overwrite); returned so the scatter stays live in the
    # functional translation (torch mutates the buffers in place)
    widx = jnp.arange(B) % M
    new_mem_values = mem_values.at[widx].set(obj_location)
    new_mem_keys = mem_keys.at[widx].set(sensory)

    return (next_location, nl_lp + obj_lp, new_mem_keys, new_mem_values)

if __name__ == "__main__":
    import jax
    _d = setup_inputs()
    print(jax.jit(kernel)(*tuple(_d.values())))

</pallas_src>

<mosaic_0001>
#map = affine_map<(d0, d1) -> (0, 0)>
#map1 = affine_map<(d0, d1) -> (0)>
module attributes {stable_mosaic.version = 14 : i64} {
  func.func @gk(%arg0: i32, %arg1: i32, %arg2: memref<100000x128xf32, #tpu.memory_space<hbm>>, %arg3: memref<131072xi32, #tpu.memory_space<hbm>>, %arg4: memref<131072x128xf32, #tpu.memory_space<hbm>>, %arg5: memref<512xi32, #tpu.memory_space<vmem>>, %arg6: memref<512x128xf32, #tpu.memory_space<vmem>>, %arg7: memref<!tpu.dma_semaphore, #tpu.memory_space<semaphore_mem>>) attributes {dimension_semantics = [#tpu.dimension_semantics<core_parallel>, #tpu.dimension_semantics<subcore_parallel>], iteration_bounds = array<i64: 2, 16>, scalar_prefetch = 0 : i64, scratch_operands = 3 : i64, tpu.core_type = #tpu.core_type<sc_vector_subcore>, window_params = [{transform_indices = #map}, {transform_indices = #map1}, {transform_indices = #map}]} {
    %mul3A = arith.constant 2 : i32
    %mul3A_0 = arith.muli %arg1, %mul3A : i32
    %add3A = arith.addi %mul3A_0, %arg0 : i32
    %mul3A_1 = arith.constant 4096 : i32
    %mul3A_2 = arith.muli %add3A, %mul3A_1 : i32
    %add3A_3 = arith.constant 0 : i32
    %add3A_4 = arith.addi %mul3A_2, %add3A_3 : i32
    "tpu.region"() ({
      %run_scoped3A = tpu.sem_alloc : memref<!tpu.dma_semaphore, #tpu.memory_space<semaphore_mem>>
      %dma_start3A_65 = tpu.memref_slice %arg3[%add3A_4] : memref<131072xi32, #tpu.memory_space<hbm>> -> memref<512xi32, #tpu.memory_space<hbm>>
      %dma_start3A_66 = tpu.memref_slice %arg3[%add3A_4] : memref<131072xi32, #tpu.memory_space<hbm>> -> memref<512xi32, #tpu.memory_space<hbm>>
      tpu.enqueue_dma source(%dma_start3A_66 : memref<512xi32, #tpu.memory_space<hbm>>) target(%arg5 : memref<512xi32, #tpu.memory_space<vmem>>) target_semaphore(%run_scoped3A : memref<!tpu.dma_semaphore, #tpu.memory_space<semaphore_mem>>)
      %dma_wait3A_67 = tpu.memref_slice %arg3[%add3A_4] : memref<131072xi32, #tpu.memory_space<hbm>> -> memref<512xi32, #tpu.memory_space<hbm>>
      %dma_wait3A_68 = tpu.memref_slice %arg3[%add3A_4] : memref<131072xi32, #tpu.memory_space<hbm>> -> memref<512xi32, #tpu.memory_space<hbm>>
      tpu.wait_dma2 semaphore(%run_scoped3A : memref<!tpu.dma_semaphore, #tpu.memory_space<semaphore_mem>>) src(%dma_wait3A_68 : memref<512xi32, #tpu.memory_space<hbm>>) dst(%arg5 : memref<512xi32, #tpu.memory_space<vmem>>)
      tpu.yield
    }) : () -> ()
    %dma_start3A = arith.constant 0 : i32
    %dma_start3A_5 = arith.constant 0 : i32
    %dma_start3A_6 = tpu.memref_slice %arg2[%dma_start3A, %dma_start3A_5] : memref<100000x128xf32, #tpu.memory_space<hbm>> -> memref<100000x128xf32, #tpu.memory_space<hbm>>
    tpu.enqueue_indirect_dma source(%dma_start3A_6 : memref<100000x128xf32, #tpu.memory_space<hbm>>) target(%arg6 : memref<512x128xf32, #tpu.memory_space<vmem>>) offsets(%arg5 : memref<512xi32, #tpu.memory_space<vmem>>) semaphore(%arg7 : memref<!tpu.dma_semaphore, #tpu.memory_space<semaphore_mem>>)
    %dma_wait3A = arith.constant 0 : i32
    %dma_wait3A_7 = arith.constant 0 : i32
    %dma_wait3A_8 = tpu.memref_slice %arg2[%dma_wait3A, %dma_wait3A_7] : memref<100000x128xf32, #tpu.memory_space<hbm>> -> memref<100000x128xf32, #tpu.memory_space<hbm>>
    tpu.wait_indirect_dma semaphore(%arg7 : memref<!tpu.dma_semaphore, #tpu.memory_space<semaphore_mem>>) src(%dma_wait3A_8 : memref<100000x128xf32, #tpu.memory_space<hbm>>) dst(%arg6 : memref<512x128xf32, #tpu.memory_space<vmem>>)
    "tpu.region"() ({
      %run_scoped3A = tpu.sem_alloc : memref<!tpu.dma_semaphore, #tpu.memory_space<semaphore_mem>>
      %dma_start3A_65 = arith.constant 0 : i32
      %dma_start3A_66 = tpu.memref_slice %arg4[%add3A_4, %dma_start3A_65] : memref<131072x128xf32, #tpu.memory_space<hbm>> -> memref<512x128xf32, #tpu.memory_space<hbm>>
      %dma_start3A_67 = arith.constant 0 : i32
      %dma_start3A_68 = tpu.memref_slice %arg4[%add3A_4, %dma_start3A_67] : memref<131072x128xf32, #tpu.memory_space<hbm>> -> memref<512x128xf32, #tpu.memory_space<hbm>>
      tpu.enqueue_dma source(%arg6 : memref<512x128xf32, #tpu.memory_space<vmem>>) target(%dma_start3A_68 : memref<512x128xf32, #tpu.memory_space<hbm>>) target_semaphore(%run_scoped3A : memref<!tpu.dma_semaphore, #tpu.memory_space<semaphore_mem>>)
      %dma_wait3A_69 = arith.constant 0 : i32
      %dma_wait3A_70 = tpu.memref_slice %arg4[%add3A_4, %dma_wait3A_69] : memref<131072x128xf32, #tpu.memory_space<hbm>> -> memref<512x128xf32, #tpu.memory_space<hbm>>
      %dma_wait3A_71 = arith.constant 0 : i32
      %dma_wait3A_72 = tpu.memref_slice %arg4[%add3A_4, %dma_wait3A_71] : memref<131072x128xf32, #tpu.memory_space<hbm>> -> memref<512x128xf32, #tpu.memory_space<hbm>>
      tpu.wait_dma2 semaphore(%run_scoped3A : memref<!tpu.dma_semaphore, #tpu.memory_space<semaphore_mem>>) src(%arg6 : memref<512x128xf32, #tpu.memory_space<vmem>>) dst(%dma_wait3A_72 : memref<512x128xf32, #tpu.memory_space<hbm>>)
      tpu.yield
    }) : () -> ()
    %add3A_9 = arith.constant 512 : i32
    %add3A_10 = arith.addi %mul3A_2, %add3A_9 : i32
    "tpu.region"() ({
      %run_scoped3A = tpu.sem_alloc : memref<!tpu.dma_semaphore, #tpu.memory_space<semaphore_mem>>
      %dma_start3A_65 = tpu.memref_slice %arg3[%add3A_10] : memref<131072xi32, #tpu.memory_space<hbm>> -> memref<512xi32, #tpu.memory_space<hbm>>
      %dma_start3A_66 = tpu.memref_slice %arg3[%add3A_10] : memref<131072xi32, #tpu.memory_space<hbm>> -> memref<512xi32, #tpu.memory_space<hbm>>
      tpu.enqueue_dma source(%dma_start3A_66 : memref<512xi32, #tpu.memory_space<hbm>>) target(%arg5 : memref<512xi32, #tpu.memory_space<vmem>>) target_semaphore(%run_scoped3A : memref<!tpu.dma_semaphore, #tpu.memory_space<semaphore_mem>>)
      %dma_wait3A_67 = tpu.memref_slice %arg3[%add3A_10] : memref<131072xi32, #tpu.memory_space<hbm>> -> memref<512xi32, #tpu.memory_space<hbm>>
      %dma_wait3A_68 = tpu.memref_slice %arg3[%add3A_10] : memref<131072xi32, #tpu.memory_space<hbm>> -> memref<512xi32, #tpu.memory_space<hbm>>
      tpu.wait_dma2 semaphore(%run_scoped3A : memref<!tpu.dma_semaphore, #tpu.memory_space<semaphore_mem>>) src(%dma_wait3A_68 : memref<512xi32, #tpu.memory_space<hbm>>) dst(%arg5 : memref<512xi32, #tpu.memory_space<vmem>>)
      tpu.yield
    }) : () -> ()
    %dma_start3A_11 = arith.constant 0 : i32
    %dma_start3A_12 = arith.constant 0 : i32
    %dma_start3A_13 = tpu.memref_slice %arg2[%dma_start3A_11, %dma_start3A_12] : memref<100000x128xf32, #tpu.memory_space<hbm>> -> memref<100000x128xf32, #tpu.memory_space<hbm>>
    tpu.enqueue_indirect_dma source(%dma_start3A_13 : memref<100000x128xf32, #tpu.memory_space<hbm>>) target(%arg6 : memref<512x128xf32, #tpu.memory_space<vmem>>) offsets(%arg5 : memref<512xi32, #tpu.memory_space<vmem>>) semaphore(%arg7 : memref<!tpu.dma_semaphore, #tpu.memory_space<semaphore_mem>>)
    %dma_wait3A_14 = arith.constant 0 : i32
    %dma_wait3A_15 = arith.constant 0 : i32
    %dma_wait3A_16 = tpu.memref_slice %arg2[%dma_wait3A_14, %dma_wait3A_15] : memref<100000x128xf32, #tpu.memory_space<hbm>> -> memref<100000x128xf32, #tpu.memory_space<hbm>>
    tpu.wait_indirect_dma semaphore(%arg7 : memref<!tpu.dma_semaphore, #tpu.memory_space<semaphore_mem>>) src(%dma_wait3A_16 : memref<100000x128xf32, #tpu.memory_space<hbm>>) dst(%arg6 : memref<512x128xf32, #tpu.memory_space<vmem>>)
    "tpu.region"() ({
      %run_scoped3A = tpu.sem_alloc : memref<!tpu.dma_semaphore, #tpu.memory_space<semaphore_mem>>
      %dma_start3A_65 = arith.constant 0 : i32
      %dma_start3A_66 = tpu.memref_slice %arg4[%add3A_10, %dma_start3A_65] : memref<131072x128xf32, #tpu.memory_space<hbm>> -> memref<512x128xf32, #tpu.memory_space<hbm>>
      %dma_start3A_67 = arith.constant 0 : i32
      %dma_start3A_68 = tpu.memref_slice %arg4[%add3A_10, %dma_start3A_67] : memref<131072x128xf32, #tpu.memory_space<hbm>> -> memref<512x128xf32, #tpu.memory_space<hbm>>
      tpu.enqueue_dma source(%arg6 : memref<512x128xf32, #tpu.memory_space<vmem>>) target(%dma_start3A_68 : memref<512x128xf32, #tpu.memory_space<hbm>>) target_semaphore(%run_scoped3A : memref<!tpu.dma_semaphore, #tpu.memory_space<semaphore_mem>>)
      %dma_wait3A_69 = arith.constant 0 : i32
      %dma_wait3A_70 = tpu.memref_slice %arg4[%add3A_10, %dma_wait3A_69] : memref<131072x128xf32, #tpu.memory_space<hbm>> -> memref<512x128xf32, #tpu.memory_space<hbm>>
      %dma_wait3A_71 = arith.constant 0 : i32
      %dma_wait3A_72 = tpu.memref_slice %arg4[%add3A_10, %dma_wait3A_71] : memref<131072x128xf32, #tpu.memory_space<hbm>> -> memref<512x128xf32, #tpu.memory_space<hbm>>
      tpu.wait_dma2 semaphore(%run_scoped3A : memref<!tpu.dma_semaphore, #tpu.memory_space<semaphore_mem>>) src(%arg6 : memref<512x128xf32, #tpu.memory_space<vmem>>) dst(%dma_wait3A_72 : memref<512x128xf32, #tpu.memory_space<hbm>>)
      tpu.yield
    }) : () -> ()
    %add3A_17 = arith.constant 1024 : i32
    %add3A_18 = arith.addi %mul3A_2, %add3A_17 : i32
    "tpu.region"() ({
      %run_scoped3A = tpu.sem_alloc : memref<!tpu.dma_semaphore, #tpu.memory_space<semaphore_mem>>
      %dma_start3A_65 = tpu.memref_slice %arg3[%add3A_18] : memref<131072xi32, #tpu.memory_space<hbm>> -> memref<512xi32, #tpu.memory_space<hbm>>
      %dma_start3A_66 = tpu.memref_slice %arg3[%add3A_18] : memref<131072xi32, #tpu.memory_space<hbm>> -> memref<512xi32, #tpu.memory_space<hbm>>
      tpu.enqueue_dma source(%dma_start3A_66 : memref<512xi32, #tpu.memory_space<hbm>>) target(%arg5 : memref<512xi32, #tpu.memory_space<vmem>>) target_semaphore(%run_scoped3A : memref<!tpu.dma_semaphore, #tpu.memory_space<semaphore_mem>>)
      %dma_wait3A_67 = tpu.memref_slice %arg3[%add3A_18] : memref<131072xi32, #tpu.memory_space<hbm>> -> memref<512xi32, #tpu.memory_space<hbm>>
      %dma_wait3A_68 = tpu.memref_slice %arg3[%add3A_18] : memref<131072xi32, #tpu.memory_space<hbm>> -> memref<512xi32, #tpu.memory_space<hbm>>
      tpu.wait_dma2 semaphore(%run_scoped3A : memref<!tpu.dma_semaphore, #tpu.memory_space<semaphore_mem>>) src(%dma_wait3A_68 : memref<512xi32, #tpu.memory_space<hbm>>) dst(%arg5 : memref<512xi32, #tpu.memory_space<vmem>>)
      tpu.yield
    }) : () -> ()
    %dma_start3A_19 = arith.constant 0 : i32
    %dma_start3A_20 = arith.constant 0 : i32
    %dma_start3A_21 = tpu.memref_slice %arg2[%dma_start3A_19, %dma_start3A_20] : memref<100000x128xf32, #tpu.memory_space<hbm>> -> memref<100000x128xf32, #tpu.memory_space<hbm>>
    tpu.enqueue_indirect_dma source(%dma_start3A_21 : memref<100000x128xf32, #tpu.memory_space<hbm>>) target(%arg6 : memref<512x128xf32, #tpu.memory_space<vmem>>) offsets(%arg5 : memref<512xi32, #tpu.memory_space<vmem>>) semaphore(%arg7 : memref<!tpu.dma_semaphore, #tpu.memory_space<semaphore_mem>>)
    %dma_wait3A_22 = arith.constant 0 : i32
    %dma_wait3A_23 = arith.constant 0 : i32
    %dma_wait3A_24 = tpu.memref_slice %arg2[%dma_wait3A_22, %dma_wait3A_23] : memref<100000x128xf32, #tpu.memory_space<hbm>> -> memref<100000x128xf32, #tpu.memory_space<hbm>>
    tpu.wait_indirect_dma semaphore(%arg7 : memref<!tpu.dma_semaphore, #tpu.memory_space<semaphore_mem>>) src(%dma_wait3A_24 : memref<100000x128xf32, #tpu.memory_space<hbm>>) dst(%arg6 : memref<512x128xf32, #tpu.memory_space<vmem>>)
    "tpu.region"() ({
      %run_scoped3A = tpu.sem_alloc : memref<!tpu.dma_semaphore, #tpu.memory_space<semaphore_mem>>
      %dma_start3A_65 = arith.constant 0 : i32
      %dma_start3A_66 = tpu.memref_slice %arg4[%add3A_18, %dma_start3A_65] : memref<131072x128xf32, #tpu.memory_space<hbm>> -> memref<512x128xf32, #tpu.memory_space<hbm>>
      %dma_start3A_67 = arith.constant 0 : i32
      %dma_start3A_68 = tpu.memref_slice %arg4[%add3A_18, %dma_start3A_67] : memref<131072x128xf32, #tpu.memory_space<hbm>> -> memref<512x128xf32, #tpu.memory_space<hbm>>
      tpu.enqueue_dma source(%arg6 : memref<512x128xf32, #tpu.memory_space<vmem>>) target(%dma_start3A_68 : memref<512x128xf32, #tpu.memory_space<hbm>>) target_semaphore(%run_scoped3A : memref<!tpu.dma_semaphore, #tpu.memory_space<semaphore_mem>>)
      %dma_wait3A_69 = arith.constant 0 : i32
      %dma_wait3A_70 = tpu.memref_slice %arg4[%add3A_18, %dma_wait3A_69] : memref<131072x128xf32, #tpu.memory_space<hbm>> -> memref<512x128xf32, #tpu.memory_space<hbm>>
      %dma_wait3A_71 = arith.constant 0 : i32
      %dma_wait3A_72 = tpu.memref_slice %arg4[%add3A_18, %dma_wait3A_71] : memref<131072x128xf32, #tpu.memory_space<hbm>> -> memref<512x128xf32, #tpu.memory_space<hbm>>
      tpu.wait_dma2 semaphore(%run_scoped3A : memref<!tpu.dma_semaphore, #tpu.memory_space<semaphore_mem>>) src(%arg6 : memref<512x128xf32, #tpu.memory_space<vmem>>) dst(%dma_wait3A_72 : memref<512x128xf32, #tpu.memory_space<hbm>>)
      tpu.yield
    }) : () -> ()
    %add3A_25 = arith.constant 1536 : i32
    %add3A_26 = arith.addi %mul3A_2, %add3A_25 : i32
    "tpu.region"() ({
      %run_scoped3A = tpu.sem_alloc : memref<!tpu.dma_semaphore, #tpu.memory_space<semaphore_mem>>
      %dma_start3A_65 = tpu.memref_slice %arg3[%add3A_26] : memref<131072xi32, #tpu.memory_space<hbm>> -> memref<512xi32, #tpu.memory_space<hbm>>
      %dma_start3A_66 = tpu.memref_slice %arg3[%add3A_26] : memref<131072xi32, #tpu.memory_space<hbm>> -> memref<512xi32, #tpu.memory_space<hbm>>
      tpu.enqueue_dma source(%dma_start3A_66 : memref<512xi32, #tpu.memory_space<hbm>>) target(%arg5 : memref<512xi32, #tpu.memory_space<vmem>>) target_semaphore(%run_scoped3A : memref<!tpu.dma_semaphore, #tpu.memory_space<semaphore_mem>>)
      %dma_wait3A_67 = tpu.memref_slice %arg3[%add3A_26] : memref<131072xi32, #tpu.memory_space<hbm>> -> memref<512xi32, #tpu.memory_space<hbm>>
      %dma_wait3A_68 = tpu.memref_slice %arg3[%add3A_26] : memref<131072xi32, #tpu.memory_space<hbm>> -> memref<512xi32, #tpu.memory_space<hbm>>
      tpu.wait_dma2 semaphore(%run_scoped3A : memref<!tpu.dma_semaphore, #tpu.memory_space<semaphore_mem>>) src(%dma_wait3A_68 : memref<512xi32, #tpu.memory_space<hbm>>) dst(%arg5 : memref<512xi32, #tpu.memory_space<vmem>>)
      tpu.yield
    }) : () -> ()
    %dma_start3A_27 = arith.constant 0 : i32
    %dma_start3A_28 = arith.constant 0 : i32
    %dma_start3A_29 = tpu.memref_slice %arg2[%dma_start3A_27, %dma_start3A_28] : memref<100000x128xf32, #tpu.memory_space<hbm>> -> memref<100000x128xf32, #tpu.memory_space<hbm>>
    tpu.enqueue_indirect_dma source(%dma_start3A_29 : memref<100000x128xf32, #tpu.memory_space<hbm>>) target(%arg6 : memref<512x128xf32, #tpu.memory_space<vmem>>) offsets(%arg5 : memref<512xi32, #tpu.memory_space<vmem>>) semaphore(%arg7 : memref<!tpu.dma_semaphore, #tpu.memory_space<semaphore_mem>>)
    %dma_wait3A_30 = arith.constant 0 : i32
    %dma_wait3A_31 = arith.constant 0 : i32
    %dma_wait3A_32 = tpu.memref_slice %arg2[%dma_wait3A_30, %dma_wait3A_31] : memref<100000x128xf32, #tpu.memory_space<hbm>> -> memref<100000x128xf32, #tpu.memory_space<hbm>>
    tpu.wait_indirect_dma semaphore(%arg7 : memref<!tpu.dma_semaphore, #tpu.memory_space<semaphore_mem>>) src(%dma_wait3A_32 : memref<100000x128xf32, #tpu.memory_space<hbm>>) dst(%arg6 : memref<512x128xf32, #tpu.memory_space<vmem>>)
    "tpu.region"() ({
      %run_scoped3A = tpu.sem_alloc : memref<!tpu.dma_semaphore, #tpu.memory_space<semaphore_mem>>
      %dma_start3A_65 = arith.constant 0 : i32
      %dma_start3A_66 = tpu.memref_slice %arg4[%add3A_26, %dma_start3A_65] : memref<131072x128xf32, #tpu.memory_space<hbm>> -> memref<512x128xf32, #tpu.memory_space<hbm>>
      %dma_start3A_67 = arith.constant 0 : i32
      %dma_start3A_68 = tpu.memref_slice %arg4[%add3A_26, %dma_start3A_67] : memref<131072x128xf32, #tpu.memory_space<hbm>> -> memref<512x128xf32, #tpu.memory_space<hbm>>
      tpu.enqueue_dma source(%arg6 : memref<512x128xf32, #tpu.memory_space<vmem>>) target(%dma_start3A_68 : memref<512x128xf32, #tpu.memory_space<hbm>>) target_semaphore(%run_scoped3A : memref<!tpu.dma_semaphore, #tpu.memory_space<semaphore_mem>>)
      %dma_wait3A_69 = arith.constant 0 : i32
      %dma_wait3A_70 = tpu.memref_slice %arg4[%add3A_26, %dma_wait3A_69] : memref<131072x128xf32, #tpu.memory_space<hbm>> -> memref<512x128xf32, #tpu.memory_space<hbm>>
      %dma_wait3A_71 = arith.constant 0 : i32
      %dma_wait3A_72 = tpu.memref_slice %arg4[%add3A_26, %dma_wait3A_71] : memref<131072x128xf32, #tpu.memory_space<hbm>> -> memref<512x128xf32, #tpu.memory_space<hbm>>
      tpu.wait_dma2 semaphore(%run_scoped3A : memref<!tpu.dma_semaphore, #tpu.memory_space<semaphore_mem>>) src(%arg6 : memref<512x128xf32, #tpu.memory_space<vmem>>) dst(%dma_wait3A_72 : memref<512x128xf32, #tpu.memory_space<hbm>>)
      tpu.yield
    }) : () -> ()
    %add3A_33 = arith.constant 2048 : i32
    %add3A_34 = arith.addi %mul3A_2, %add3A_33 : i32
    "tpu.region"() ({
      %run_scoped3A = tpu.sem_alloc : memref<!tpu.dma_semaphore, #tpu.memory_space<semaphore_mem>>
      %dma_start3A_65 = tpu.memref_slice %arg3[%add3A_34] : memref<131072xi32, #tpu.memory_space<hbm>> -> memref<512xi32, #tpu.memory_space<hbm>>
      %dma_start3A_66 = tpu.memref_slice %arg3[%add3A_34] : memref<131072xi32, #tpu.memory_space<hbm>> -> memref<512xi32, #tpu.memory_space<hbm>>
      tpu.enqueue_dma source(%dma_start3A_66 : memref<512xi32, #tpu.memory_space<hbm>>) target(%arg5 : memref<512xi32, #tpu.memory_space<vmem>>) target_semaphore(%run_scoped3A : memref<!tpu.dma_semaphore, #tpu.memory_space<semaphore_mem>>)
      %dma_wait3A_67 = tpu.memref_slice %arg3[%add3A_34] : memref<131072xi32, #tpu.memory_space<hbm>> -> memref<512xi32, #tpu.memory_space<hbm>>
      %dma_wait3A_68 = tpu.memref_slice %arg3[%add3A_34] : memref<131072xi32, #tpu.memory_space<hbm>> -> memref<512xi32, #tpu.memory_space<hbm>>
      tpu.wait_dma2 semaphore(%run_scoped3A : memref<!tpu.dma_semaphore, #tpu.memory_space<semaphore_mem>>) src(%dma_wait3A_68 : memref<512xi32, #tpu.memory_space<hbm>>) dst(%arg5 : memref<512xi32, #tpu.memory_space<vmem>>)
      tpu.yield
    }) : () -> ()
    %dma_start3A_35 = arith.constant 0 : i32
    %dma_start3A_36 = arith.constant 0 : i32
    %dma_start3A_37 = tpu.memref_slice %arg2[%dma_start3A_35, %dma_start3A_36] : memref<100000x128xf32, #tpu.memory_space<hbm>> -> memref<100000x128xf32, #tpu.memory_space<hbm>>
    tpu.enqueue_indirect_dma source(%dma_start3A_37 : memref<100000x128xf32, #tpu.memory_space<hbm>>) target(%arg6 : memref<512x128xf32, #tpu.memory_space<vmem>>) offsets(%arg5 : memref<512xi32, #tpu.memory_space<vmem>>) semaphore(%arg7 : memref<!tpu.dma_semaphore, #tpu.memory_space<semaphore_mem>>)
    %dma_wait3A_38 = arith.constant 0 : i32
    %dma_wait3A_39 = arith.constant 0 : i32
    %dma_wait3A_40 = tpu.memref_slice %arg2[%dma_wait3A_38, %dma_wait3A_39] : memref<100000x128xf32, #tpu.memory_space<hbm>> -> memref<100000x128xf32, #tpu.memory_space<hbm>>
    tpu.wait_indirect_dma semaphore(%arg7 : memref<!tpu.dma_semaphore, #tpu.memory_space<semaphore_mem>>) src(%dma_wait3A_40 : memref<100000x128xf32, #tpu.memory_space<hbm>>) dst(%arg6 : memref<512x128xf32, #tpu.memory_space<vmem>>)
    "tpu.region"() ({
      %run_scoped3A = tpu.sem_alloc : memref<!tpu.dma_semaphore, #tpu.memory_space<semaphore_mem>>
      %dma_start3A_65 = arith.constant 0 : i32
      %dma_start3A_66 = tpu.memref_slice %arg4[%add3A_34, %dma_start3A_65] : memref<131072x128xf32, #tpu.memory_space<hbm>> -> memref<512x128xf32, #tpu.memory_space<hbm>>
      %dma_start3A_67 = arith.constant 0 : i32
      %dma_start3A_68 = tpu.memref_slice %arg4[%add3A_34, %dma_start3A_67] : memref<131072x128xf32, #tpu.memory_space<hbm>> -> memref<512x128xf32, #tpu.memory_space<hbm>>
      tpu.enqueue_dma source(%arg6 : memref<512x128xf32, #tpu.memory_space<vmem>>) target(%dma_start3A_68 : memref<512x128xf32, #tpu.memory_space<hbm>>) target_semaphore(%run_scoped3A : memref<!tpu.dma_semaphore, #tpu.memory_space<semaphore_mem>>)
      %dma_wait3A_69 = arith.constant 0 : i32
      %dma_wait3A_70 = tpu.memref_slice %arg4[%add3A_34, %dma_wait3A_69] : memref<131072x128xf32, #tpu.memory_space<hbm>> -> memref<512x128xf32, #tpu.memory_space<hbm>>
      %dma_wait3A_71 = arith.constant 0 : i32
      %dma_wait3A_72 = tpu.memref_slice %arg4[%add3A_34, %dma_wait3A_71] : memref<131072x128xf32, #tpu.memory_space<hbm>> -> memref<512x128xf32, #tpu.memory_space<hbm>>
      tpu.wait_dma2 semaphore(%run_scoped3A : memref<!tpu.dma_semaphore, #tpu.memory_space<semaphore_mem>>) src(%arg6 : memref<512x128xf32, #tpu.memory_space<vmem>>) dst(%dma_wait3A_72 : memref<512x128xf32, #tpu.memory_space<hbm>>)
      tpu.yield
    }) : () -> ()
    %add3A_41 = arith.constant 2560 : i32
    %add3A_42 = arith.addi %mul3A_2, %add3A_41 : i32
    "tpu.region"() ({
      %run_scoped3A = tpu.sem_alloc : memref<!tpu.dma_semaphore, #tpu.memory_space<semaphore_mem>>
      %dma_start3A_65 = tpu.memref_slice %arg3[%add3A_42] : memref<131072xi32, #tpu.memory_space<hbm>> -> memref<512xi32, #tpu.memory_space<hbm>>
      %dma_start3A_66 = tpu.memref_slice %arg3[%add3A_42] : memref<131072xi32, #tpu.memory_space<hbm>> -> memref<512xi32, #tpu.memory_space<hbm>>
      tpu.enqueue_dma source(%dma_start3A_66 : memref<512xi32, #tpu.memory_space<hbm>>) target(%arg5 : memref<512xi32, #tpu.memory_space<vmem>>) target_semaphore(%run_scoped3A : memref<!tpu.dma_semaphore, #tpu.memory_space<semaphore_mem>>)
      %dma_wait3A_67 = tpu.memref_slice %arg3[%add3A_42] : memref<131072xi32, #tpu.memory_space<hbm>> -> memref<512xi32, #tpu.memory_space<hbm>>
      %dma_wait3A_68 = tpu.memref_slice %arg3[%add3A_42] : memref<131072xi32, #tpu.memory_space<hbm>> -> memref<512xi32, #tpu.memory_space<hbm>>
      tpu.wait_dma2 semaphore(%run_scoped3A : memref<!tpu.dma_semaphore, #tpu.memory_space<semaphore_mem>>) src(%dma_wait3A_68 : memref<512xi32, #tpu.memory_space<hbm>>) dst(%arg5 : memref<512xi32, #tpu.memory_space<vmem>>)
      tpu.yield
    }) : () -> ()
    %dma_start3A_43 = arith.constant 0 : i32
    %dma_start3A_44 = arith.constant 0 : i32
    %dma_start3A_45 = tpu.memref_slice %arg2[%dma_start3A_43, %dma_start3A_44] : memref<100000x128xf32, #tpu.memory_space<hbm>> -> memref<100000x128xf32, #tpu.memory_space<hbm>>
    tpu.enqueue_indirect_dma source(%dma_start3A_45 : memref<100000x128xf32, #tpu.memory_space<hbm>>) target(%arg6 : memref<512x128xf32, #tpu.memory_space<vmem>>) offsets(%arg5 : memref<512xi32, #tpu.memory_space<vmem>>) semaphore(%arg7 : memref<!tpu.dma_semaphore, #tpu.memory_space<semaphore_mem>>)
    %dma_wait3A_46 = arith.constant 0 : i32
    %dma_wait3A_47 = arith.constant 0 : i32
    %dma_wait3A_48 = tpu.memref_slice %arg2[%dma_wait3A_46, %dma_wait3A_47] : memref<100000x128xf32, #tpu.memory_space<hbm>> -> memref<100000x128xf32, #tpu.memory_space<hbm>>
    tpu.wait_indirect_dma semaphore(%arg7 : memref<!tpu.dma_semaphore, #tpu.memory_space<semaphore_mem>>) src(%dma_wait3A_48 : memref<100000x128xf32, #tpu.memory_space<hbm>>) dst(%arg6 : memref<512x128xf32, #tpu.memory_space<vmem>>)
    "tpu.region"() ({
      %run_scoped3A = tpu.sem_alloc : memref<!tpu.dma_semaphore, #tpu.memory_space<semaphore_mem>>
      %dma_start3A_65 = arith.constant 0 : i32
      %dma_start3A_66 = tpu.memref_slice %arg4[%add3A_42, %dma_start3A_65] : memref<131072x128xf32, #tpu.memory_space<hbm>> -> memref<512x128xf32, #tpu.memory_space<hbm>>
      %dma_start3A_67 = arith.constant 0 : i32
      %dma_start3A_68 = tpu.memref_slice %arg4[%add3A_42, %dma_start3A_67] : memref<131072x128xf32, #tpu.memory_space<hbm>> -> memref<512x128xf32, #tpu.memory_space<hbm>>
      tpu.enqueue_dma source(%arg6 : memref<512x128xf32, #tpu.memory_space<vmem>>) target(%dma_start3A_68 : memref<512x128xf32, #tpu.memory_space<hbm>>) target_semaphore(%run_scoped3A : memref<!tpu.dma_semaphore, #tpu.memory_space<semaphore_mem>>)
      %dma_wait3A_69 = arith.constant 0 : i32
      %dma_wait3A_70 = tpu.memref_slice %arg4[%add3A_42, %dma_wait3A_69] : memref<131072x128xf32, #tpu.memory_space<hbm>> -> memref<512x128xf32, #tpu.memory_space<hbm>>
      %dma_wait3A_71 = arith.constant 0 : i32
      %dma_wait3A_72 = tpu.memref_slice %arg4[%add3A_42, %dma_wait3A_71] : memref<131072x128xf32, #tpu.memory_space<hbm>> -> memref<512x128xf32, #tpu.memory_space<hbm>>
      tpu.wait_dma2 semaphore(%run_scoped3A : memref<!tpu.dma_semaphore, #tpu.memory_space<semaphore_mem>>) src(%arg6 : memref<512x128xf32, #tpu.memory_space<vmem>>) dst(%dma_wait3A_72 : memref<512x128xf32, #tpu.memory_space<hbm>>)
      tpu.yield
    }) : () -> ()
    %add3A_49 = arith.constant 3072 : i32
    %add3A_50 = arith.addi %mul3A_2, %add3A_49 : i32
    "tpu.region"() ({
      %run_scoped3A = tpu.sem_alloc : memref<!tpu.dma_semaphore, #tpu.memory_space<semaphore_mem>>
      %dma_start3A_65 = tpu.memref_slice %arg3[%add3A_50] : memref<131072xi32, #tpu.memory_space<hbm>> -> memref<512xi32, #tpu.memory_space<hbm>>
      %dma_start3A_66 = tpu.memref_slice %arg3[%add3A_50] : memref<131072xi32, #tpu.memory_space<hbm>> -> memref<512xi32, #tpu.memory_space<hbm>>
      tpu.enqueue_dma source(%dma_start3A_66 : memref<512xi32, #tpu.memory_space<hbm>>) target(%arg5 : memref<512xi32, #tpu.memory_space<vmem>>) target_semaphore(%run_scoped3A : memref<!tpu.dma_semaphore, #tpu.memory_space<semaphore_mem>>)
      %dma_wait3A_67 = tpu.memref_slice %arg3[%add3A_50] : memref<131072xi32, #tpu.memory_space<hbm>> -> memref<512xi32, #tpu.memory_space<hbm>>
      %dma_wait3A_68 = tpu.memref_slice %arg3[%add3A_50] : memref<131072xi32, #tpu.memory_space<hbm>> -> memref<512xi32, #tpu.memory_space<hbm>>
      tpu.wait_dma2 semaphore(%run_scoped3A : memref<!tpu.dma_semaphore, #tpu.memory_space<semaphore_mem>>) src(%dma_wait3A_68 : memref<512xi32, #tpu.memory_space<hbm>>) dst(%arg5 : memref<512xi32, #tpu.memory_space<vmem>>)
      tpu.yield
    }) : () -> ()
    %dma_start3A_51 = arith.constant 0 : i32
    %dma_start3A_52 = arith.constant 0 : i32
    %dma_start3A_53 = tpu.memref_slice %arg2[%dma_start3A_51, %dma_start3A_52] : memref<100000x128xf32, #tpu.memory_space<hbm>> -> memref<100000x128xf32, #tpu.memory_space<hbm>>
    tpu.enqueue_indirect_dma source(%dma_start3A_53 : memref<100000x128xf32, #tpu.memory_space<hbm>>) target(%arg6 : memref<512x128xf32, #tpu.memory_space<vmem>>) offsets(%arg5 : memref<512xi32, #tpu.memory_space<vmem>>) semaphore(%arg7 : memref<!tpu.dma_semaphore, #tpu.memory_space<semaphore_mem>>)
    %dma_wait3A_54 = arith.constant 0 : i32
    %dma_wait3A_55 = arith.constant 0 : i32
    %dma_wait3A_56 = tpu.memref_slice %arg2[%dma_wait3A_54, %dma_wait3A_55] : memref<100000x128xf32, #tpu.memory_space<hbm>> -> memref<100000x128xf32, #tpu.memory_space<hbm>>
    tpu.wait_indirect_dma semaphore(%arg7 : memref<!tpu.dma_semaphore, #tpu.memory_space<semaphore_mem>>) src(%dma_wait3A_56 : memref<100000x128xf32, #tpu.memory_space<hbm>>) dst(%arg6 : memref<512x128xf32, #tpu.memory_space<vmem>>)
    "tpu.region"() ({
      %run_scoped3A = tpu.sem_alloc : memref<!tpu.dma_semaphore, #tpu.memory_space<semaphore_mem>>
      %dma_start3A_65 = arith.constant 0 : i32
      %dma_start3A_66 = tpu.memref_slice %arg4[%add3A_50, %dma_start3A_65] : memref<131072x128xf32, #tpu.memory_space<hbm>> -> memref<512x128xf32, #tpu.memory_space<hbm>>
      %dma_start3A_67 = arith.constant 0 : i32
      %dma_start3A_68 = tpu.memref_slice %arg4[%add3A_50, %dma_start3A_67] : memref<131072x128xf32, #tpu.memory_space<hbm>> -> memref<512x128xf32, #tpu.memory_space<hbm>>
      tpu.enqueue_dma source(%arg6 : memref<512x128xf32, #tpu.memory_space<vmem>>) target(%dma_start3A_68 : memref<512x128xf32, #tpu.memory_space<hbm>>) target_semaphore(%run_scoped3A : memref<!tpu.dma_semaphore, #tpu.memory_space<semaphore_mem>>)
      %dma_wait3A_69 = arith.constant 0 : i32
      %dma_wait3A_70 = tpu.memref_slice %arg4[%add3A_50, %dma_wait3A_69] : memref<131072x128xf32, #tpu.memory_space<hbm>> -> memref<512x128xf32, #tpu.memory_space<hbm>>
      %dma_wait3A_71 = arith.constant 0 : i32
      %dma_wait3A_72 = tpu.memref_slice %arg4[%add3A_50, %dma_wait3A_71] : memref<131072x128xf32, #tpu.memory_space<hbm>> -> memref<512x128xf32, #tpu.memory_space<hbm>>
      tpu.wait_dma2 semaphore(%run_scoped3A : memref<!tpu.dma_semaphore, #tpu.memory_space<semaphore_mem>>) src(%arg6 : memref<512x128xf32, #tpu.memory_space<vmem>>) dst(%dma_wait3A_72 : memref<512x128xf32, #tpu.memory_space<hbm>>)
      tpu.yield
    }) : () -> ()
    %add3A_57 = arith.constant 3584 : i32
    %add3A_58 = arith.addi %mul3A_2, %add3A_57 : i32
    "tpu.region"() ({
      %run_scoped3A = tpu.sem_alloc : memref<!tpu.dma_semaphore, #tpu.memory_space<semaphore_mem>>
      %dma_start3A_65 = tpu.memref_slice %arg3[%add3A_58] : memref<131072xi32, #tpu.memory_space<hbm>> -> memref<512xi32, #tpu.memory_space<hbm>>
      %dma_start3A_66 = tpu.memref_slice %arg3[%add3A_58] : memref<131072xi32, #tpu.memory_space<hbm>> -> memref<512xi32, #tpu.memory_space<hbm>>
      tpu.enqueue_dma source(%dma_start3A_66 : memref<512xi32, #tpu.memory_space<hbm>>) target(%arg5 : memref<512xi32, #tpu.memory_space<vmem>>) target_semaphore(%run_scoped3A : memref<!tpu.dma_semaphore, #tpu.memory_space<semaphore_mem>>)
      %dma_wait3A_67 = tpu.memref_slice %arg3[%add3A_58] : memref<131072xi32, #tpu.memory_space<hbm>> -> memref<512xi32, #tpu.memory_space<hbm>>
      %dma_wait3A_68 = tpu.memref_slice %arg3[%add3A_58] : memref<131072xi32, #tpu.memory_space<hbm>> -> memref<512xi32, #tpu.memory_space<hbm>>
      tpu.wait_dma2 semaphore(%run_scoped3A : memref<!tpu.dma_semaphore, #tpu.memory_space<semaphore_mem>>) src(%dma_wait3A_68 : memref<512xi32, #tpu.memory_space<hbm>>) dst(%arg5 : memref<512xi32, #tpu.memory_space<vmem>>)
      tpu.yield
    }) : () -> ()
    %dma_start3A_59 = arith.constant 0 : i32
    %dma_start3A_60 = arith.constant 0 : i32
    %dma_start3A_61 = tpu.memref_slice %arg2[%dma_start3A_59, %dma_start3A_60] : memref<100000x128xf32, #tpu.memory_space<hbm>> -> memref<100000x128xf32, #tpu.memory_space<hbm>>
    tpu.enqueue_indirect_dma source(%dma_start3A_61 : memref<100000x128xf32, #tpu.memory_space<hbm>>) target(%arg6 : memref<512x128xf32, #tpu.memory_space<vmem>>) offsets(%arg5 : memref<512xi32, #tpu.memory_space<vmem>>) semaphore(%arg7 : memref<!tpu.dma_semaphore, #tpu.memory_space<semaphore_mem>>)
    %dma_wait3A_62 = arith.constant 0 : i32
    %dma_wait3A_63 = arith.constant 0 : i32
    %dma_wait3A_64 = tpu.memref_slice %arg2[%dma_wait3A_62, %dma_wait3A_63] : memref<100000x128xf32, #tpu.memory_space<hbm>> -> memref<100000x128xf32, #tpu.memory_space<hbm>>
    tpu.wait_indirect_dma semaphore(%arg7 : memref<!tpu.dma_semaphore, #tpu.memory_space<semaphore_mem>>) src(%dma_wait3A_64 : memref<100000x128xf32, #tpu.memory_space<hbm>>) dst(%arg6 : memref<512x128xf32, #tpu.memory_space<vmem>>)
    "tpu.region"() ({
      %run_scoped3A = tpu.sem_alloc : memref<!tpu.dma_semaphore, #tpu.memory_space<semaphore_mem>>
      %dma_start3A_65 = arith.constant 0 : i32
      %dma_start3A_66 = tpu.memref_slice %arg4[%add3A_58, %dma_start3A_65] : memref<131072x128xf32, #tpu.memory_space<hbm>> -> memref<512x128xf32, #tpu.memory_space<hbm>>
      %dma_start3A_67 = arith.constant 0 : i32
      %dma_start3A_68 = tpu.memref_slice %arg4[%add3A_58, %dma_start3A_67] : memref<131072x128xf32, #tpu.memory_space<hbm>> -> memref<512x128xf32, #tpu.memory_space<hbm>>
      tpu.enqueue_dma source(%arg6 : memref<512x128xf32, #tpu.memory_space<vmem>>) target(%dma_start3A_68 : memref<512x128xf32, #tpu.memory_space<hbm>>) target_semaphore(%run_scoped3A : memref<!tpu.dma_semaphore, #tpu.memory_space<semaphore_mem>>)
      %dma_wait3A_69 = arith.constant 0 : i32
      %dma_wait3A_70 = tpu.memref_slice %arg4[%add3A_58, %dma_wait3A_69] : memref<131072x128xf32, #tpu.memory_space<hbm>> -> memref<512x128xf32, #tpu.memory_space<hbm>>
      %dma_wait3A_71 = arith.constant 0 : i32
      %dma_wait3A_72 = tpu.memref_slice %arg4[%add3A_58, %dma_wait3A_71] : memref<131072x128xf32, #tpu.memory_space<hbm>> -> memref<512x128xf32, #tpu.memory_space<hbm>>
      tpu.wait_dma2 semaphore(%run_scoped3A : memref<!tpu.dma_semaphore, #tpu.memory_space<semaphore_mem>>) src(%arg6 : memref<512x128xf32, #tpu.memory_space<vmem>>) dst(%dma_wait3A_72 : memref<512x128xf32, #tpu.memory_space<hbm>>)
      tpu.yield
    }) : () -> ()
    return
  }
}

#map = affine_map<(d0, d1) -> (0, 0)>
#map1 = affine_map<(d0, d1) -> (0)>
module attributes {stable_mosaic.version = 14 : i64} {
  func.func @gk(%arg0: i32, %arg1: i32, %arg2: memref<100000x128xf32, #tpu.memory_space<hbm>>, %arg3: memref<8192xi32, #tpu.memory_space<hbm>>, %arg4: memref<8192x128xf32, #tpu.memory_space<hbm>>, %arg5: memref<256xi32, #tpu.memory_space<vmem>>, %arg6: memref<256x128xf32, #tpu.memory_space<vmem>>, %arg7: memref<!tpu.dma_semaphore, #tpu.memory_space<semaphore_mem>>) attributes {dimension_semantics = [#tpu.dimension_semantics<core_parallel>, #tpu.dimension_semantics<subcore_parallel>], iteration_bounds = array<i64: 2, 16>, scalar_prefetch = 0 : i64, scratch_operands = 3 : i64, tpu.core_type = #tpu.core_type<sc_vector_subcore>, window_params = [{transform_indices = #map}, {transform_indices = #map1}, {transform_indices = #map}]} {
    %mul3A = arith.constant 2 : i32
    %mul3A_0 = arith.muli %arg1, %mul3A : i32
    %add3A = arith.addi %mul3A_0, %arg0 : i32
    %mul3A_1 = arith.constant 256 : i32
    %mul3A_2 = arith.muli %add3A, %mul3A_1 : i32
    %add3A_3 = arith.constant 0 : i32
    %add3A_4 = arith.addi %mul3A_2, %add3A_3 : i32
    "tpu.region"() ({
      %run_scoped3A = tpu.sem_alloc : memref<!tpu.dma_semaphore, #tpu.memory_space<semaphore_mem>>
      %dma_start3A_9 = tpu.memref_slice %arg3[%add3A_4] : memref<8192xi32, #tpu.memory_space<hbm>> -> memref<256xi32, #tpu.memory_space<hbm>>
      %dma_start3A_10 = tpu.memref_slice %arg3[%add3A_4] : memref<8192xi32, #tpu.memory_space<hbm>> -> memref<256xi32, #tpu.memory_space<hbm>>
      tpu.enqueue_dma source(%dma_start3A_10 : memref<256xi32, #tpu.memory_space<hbm>>) target(%arg5 : memref<256xi32, #tpu.memory_space<vmem>>) target_semaphore(%run_scoped3A : memref<!tpu.dma_semaphore, #tpu.memory_space<semaphore_mem>>)
      %dma_wait3A_11 = tpu.memref_slice %arg3[%add3A_4] : memref<8192xi32, #tpu.memory_space<hbm>> -> memref<256xi32, #tpu.memory_space<hbm>>
      %dma_wait3A_12 = tpu.memref_slice %arg3[%add3A_4] : memref<8192xi32, #tpu.memory_space<hbm>> -> memref<256xi32, #tpu.memory_space<hbm>>
      tpu.wait_dma2 semaphore(%run_scoped3A : memref<!tpu.dma_semaphore, #tpu.memory_space<semaphore_mem>>) src(%dma_wait3A_12 : memref<256xi32, #tpu.memory_space<hbm>>) dst(%arg5 : memref<256xi32, #tpu.memory_space<vmem>>)
      tpu.yield
    }) : () -> ()
    %dma_start3A = arith.constant 0 : i32
    %dma_start3A_5 = arith.constant 0 : i32
    %dma_start3A_6 = tpu.memref_slice %arg2[%dma_start3A, %dma_start3A_5] : memref<100000x128xf32, #tpu.memory_space<hbm>> -> memref<100000x128xf32, #tpu.memory_space<hbm>>
    tpu.enqueue_indirect_dma source(%dma_start3A_6 : memref<100000x128xf32, #tpu.memory_space<hbm>>) target(%arg6 : memref<256x128xf32, #tpu.memory_space<vmem>>) offsets(%arg5 : memref<256xi32, #tpu.memory_space<vmem>>) semaphore(%arg7 : memref<!tpu.dma_semaphore, #tpu.memory_space<semaphore_mem>>)
    %dma_wait3A = arith.constant 0 : i32
    %dma_wait3A_7 = arith.constant 0 : i32
    %dma_wait3A_8 = tpu.memref_slice %arg2[%dma_wait3A, %dma_wait3A_7] : memref<100000x128xf32, #tpu.memory_space<hbm>> -> memref<100000x128xf32, #tpu.memory_space<hbm>>
    tpu.wait_indirect_dma semaphore(%arg7 : memref<!tpu.dma_semaphore, #tpu.memory_space<semaphore_mem>>) src(%dma_wait3A_8 : memref<100000x128xf32, #tpu.memory_space<hbm>>) dst(%arg6 : memref<256x128xf32, #tpu.memory_space<vmem>>)
    "tpu.region"() ({
      %run_scoped3A = tpu.sem_alloc : memref<!tpu.dma_semaphore, #tpu.memory_space<semaphore_mem>>
      %dma_start3A_9 = arith.constant 0 : i32
      %dma_start3A_10 = tpu.memref_slice %arg4[%add3A_4, %dma_start3A_9] : memref<8192x128xf32, #tpu.memory_space<hbm>> -> memref<256x128xf32, #tpu.memory_space<hbm>>
      %dma_start3A_11 = arith.constant 0 : i32
      %dma_start3A_12 = tpu.memref_slice %arg4[%add3A_4, %dma_start3A_11] : memref<8192x128xf32, #tpu.memory_space<hbm>> -> memref<256x128xf32, #tpu.memory_space<hbm>>
      tpu.enqueue_dma source(%arg6 : memref<256x128xf32, #tpu.memory_space<vmem>>) target(%dma_start3A_12 : memref<256x128xf32, #tpu.memory_space<hbm>>) target_semaphore(%run_scoped3A : memref<!tpu.dma_semaphore, #tpu.memory_space<semaphore_mem>>)
      %dma_wait3A_13 = arith.constant 0 : i32
      %dma_wait3A_14 = tpu.memref_slice %arg4[%add3A_4, %dma_wait3A_13] : memref<8192x128xf32, #tpu.memory_space<hbm>> -> memref<256x128xf32, #tpu.memory_space<hbm>>
      %dma_wait3A_15 = arith.constant 0 : i32
      %dma_wait3A_16 = tpu.memref_slice %arg4[%add3A_4, %dma_wait3A_15] : memref<8192x128xf32, #tpu.memory_space<hbm>> -> memref<256x128xf32, #tpu.memory_space<hbm>>
      tpu.wait_dma2 semaphore(%run_scoped3A : memref<!tpu.dma_semaphore, #tpu.memory_space<semaphore_mem>>) src(%arg6 : memref<256x128xf32, #tpu.memory_space<vmem>>) dst(%dma_wait3A_16 : memref<256x128xf32, #tpu.memory_space<hbm>>)
      tpu.yield
    }) : () -> ()
    return
  }
}

module attributes {stable_mosaic.version = 14 : i64} {
  func.func @_k1_body(%arg0: i32, %arg1: memref<1024x64xf32, #tpu.memory_space<vmem>>, %arg2: memref<2048x64xf32, #tpu.memory_space<vmem>>, %arg3: memref<1x2048xf32, #tpu.memory_space<vmem>>, %arg4: memref<1024x128xf32, #tpu.memory_space<vmem>>, %arg5: memref<2048x64xf32, #tpu.memory_space<vmem>>, %arg6: memref<2048x128xf32, #tpu.memory_space<vmem>>) attributes {dimension_semantics = [#tpu.dimension_semantics<arbitrary>], iteration_bounds = array<i64: 49>, scalar_prefetch = 0 : i64, scratch_operands = 0 : i64, tpu.core_type = #tpu.core_type<tc>, window_params = [{pipeline_mode = #tpu.pipeline_mode<synchronous>, transform_indices = @transform_0, window_bounds = array<i64: 1024, 64>}, {transform_indices = @transform_1, window_bounds = array<i64: 2048, 64>}, {transform_indices = @transform_2, window_bounds = array<i64: 1, 2048>}, {transform_indices = @transform_3, window_bounds = array<i64: 1024, 128>}, {transform_indices = @transform_4, window_bounds = array<i64: 2048, 64>}, {transform_indices = @transform_5, window_bounds = array<i64: 2048, 128>}]} {
    %get3A = arith.constant 0 : index
    %get3A_0 = arith.constant 0 : index
    %get3A_1 = vector.load %arg1[%get3A, %get3A_0] : memref<1024x64xf32, #tpu.memory_space<vmem>>, vector<1024x64xf32>
    %get3A_2 = arith.constant 0 : index
    %get3A_3 = arith.constant 0 : index
    %get3A_4 = vector.load %arg2[%get3A_2, %get3A_3] : memref<2048x64xf32, #tpu.memory_space<vmem>>, vector<2048x64xf32>
    %dot_general3A = arith.constant dense<0.000000e+00> : vector<1024x2048xf32>
    %dot_general3A_5 = tpu.matmul %get3A_1, %get3A_4, %dot_general3A {dimension_numbers = #tpu.dot_dimension_numbers<[1], [1], [0], [0], [0, 0, 1, 0], [], []>, transpose_lhs_hint = false} : vector<1024x64xf32>, vector<2048x64xf32>, vector<1024x2048xf32> -> vector<1024x2048xf32>
    %get3A_6 = arith.constant 0 : index
    %get3A_7 = arith.constant 0 : index
    %get3A_8 = vector.load %arg3[%get3A_6, %get3A_7] : memref<1x2048xf32, #tpu.memory_space<vmem>>, vector<1x2048xf32>
    %gt3A = arith.constant 0.000000e+00 : f32
    %gt3A_9 = vector.broadcast %gt3A : f32 to vector<1x2048xf32>
    %gt3A_10 = arith.cmpf ogt, %get3A_8, %gt3A_9 : vector<1x2048xf32>
    %jit3A = arith.constant 0xFF800000 : f32
    %broadcast_in_dim3A = vector.shape_cast %gt3A_10 : vector<1x2048xi1> to vector<1x2048xi1>
    %broadcast_in_dim3A_11 = vector.broadcast %broadcast_in_dim3A : vector<1x2048xi1> to vector<1024x2048xi1>
    %broadcast_in_dim3A_12 = vector.broadcast %jit3A : f32 to vector<1024x2048xf32>
    %select_n3A = arith.select %broadcast_in_dim3A_11, %dot_general3A_5, %broadcast_in_dim3A_12 : vector<1024x2048xi1>, vector<1024x2048xf32>
    %slice3A = vector.extract_strided_slice %select_n3A {offsets = [0, 0], sizes = [1024, 128], strides = [1, 1]} : vector<1024x2048xf32> to vector<1024x128xf32>
    %slice3A_13 = vector.extract_strided_slice %select_n3A {offsets = [0, 128], sizes = [1024, 128], strides = [1, 1]} : vector<1024x2048xf32> to vector<1024x128xf32>
    %max3A = arith.maximumf %slice3A, %slice3A_13 : vector<1024x128xf32>
    %slice3A_14 = vector.extract_strided_slice %select_n3A {offsets = [0, 256], sizes = [1024, 128], strides = [1, 1]} : vector<1024x2048xf32> to vector<1024x128xf32>
    %max3A_15 = arith.maximumf %max3A, %slice3A_14 : vector<1024x128xf32>
    %slice3A_16 = vector.extract_strided_slice %select_n3A {offsets = [0, 384], sizes = [1024, 128], strides = [1, 1]} : vector<1024x2048xf32> to vector<1024x128xf32>
    %max3A_17 = arith.maximumf %max3A_15, %slice3A_16 : vector<1024x128xf32>
    %slice3A_18 = vector.extract_strided_slice %select_n3A {offsets = [0, 512], sizes = [1024, 128], strides = [1, 1]} : vector<1024x2048xf32> to vector<1024x128xf32>
    %max3A_19 = arith.maximumf %max3A_17, %slice3A_18 : vector<1024x128xf32>
    %slice3A_20 = vector.extract_strided_slice %select_n3A {offsets = [0, 640], sizes = [1024, 128], strides = [1, 1]} : vector<1024x2048xf32> to vector<1024x128xf32>
    %max3A_21 = arith.maximumf %max3A_19, %slice3A_20 : vector<1024x128xf32>
    %slice3A_22 = vector.extract_strided_slice %select_n3A {offsets = [0, 768], sizes = [1024, 128], strides = [1, 1]} : vector<1024x2048xf32> to vector<1024x128xf32>
    %max3A_23 = arith.maximumf %max3A_21, %slice3A_22 : vector<1024x128xf32>
    %slice3A_24 = vector.extract_strided_slice %select_n3A {offsets = [0, 896], sizes = [1024, 128], strides = [1, 1]} : vector<1024x2048xf32> to vector<1024x128xf32>
    %max3A_25 = arith.maximumf %max3A_23, %slice3A_24 : vector<1024x128xf32>
    %slice3A_26 = vector.extract_strided_slice %select_n3A {offsets = [0, 1024], sizes = [1024, 128], strides = [1, 1]} : vector<1024x2048xf32> to vector<1024x128xf32>
    %max3A_27 = arith.maximumf %max3A_25, %slice3A_26 : vector<1024x128xf32>
    %slice3A_28 = vector.extract_strided_slice %select_n3A {offsets = [0, 1152], sizes = [1024, 128], strides = [1, 1]} : vector<1024x2048xf32> to vector<1024x128xf32>
    %max3A_29 = arith.maximumf %max3A_27, %slice3A_28 : vector<1024x128xf32>
    %slice3A_30 = vector.extract_strided_slice %select_n3A {offsets = [0, 1280], sizes = [1024, 128], strides = [1, 1]} : vector<1024x2048xf32> to vector<1024x128xf32>
    %max3A_31 = arith.maximumf %max3A_29, %slice3A_30 : vector<1024x128xf32>
    %slice3A_32 = vector.extract_strided_slice %select_n3A {offsets = [0, 1408], sizes = [1024, 128], strides = [1, 1]} : vector<1024x2048xf32> to vector<1024x128xf32>
    %max3A_33 = arith.maximumf %max3A_31, %slice3A_32 : vector<1024x128xf32>
    %slice3A_34 = vector.extract_strided_slice %select_n3A {offsets = [0, 1536], sizes = [1024, 128], strides = [1, 1]} : vector<1024x2048xf32> to vector<1024x128xf32>
    %max3A_35 = arith.maximumf %max3A_33, %slice3A_34 : vector<1024x128xf32>
    %slice3A_36 = vector.extract_strided_slice %select_n3A {offsets = [0, 1664], sizes = [1024, 128], strides = [1, 1]} : vector<1024x2048xf32> to vector<1024x128xf32>
    %max3A_37 = arith.maximumf %max3A_35, %slice3A_36 : vector<1024x128xf32>
    %slice3A_38 = vector.extract_strided_slice %select_n3A {offsets = [0, 1792], sizes = [1024, 128], strides = [1, 1]} : vector<1024x2048xf32> to vector<1024x128xf32>
    %max3A_39 = arith.maximumf %max3A_37, %slice3A_38 : vector<1024x128xf32>
    %slice3A_40 = vector.extract_strided_slice %select_n3A {offsets = [0, 1920], sizes = [1024, 128], strides = [1, 1]} : vector<1024x2048xf32> to vector<1024x128xf32>
    %max3A_41 = arith.maximumf %max3A_39, %slice3A_40 : vector<1024x128xf32>
    %swap3A = arith.constant 0 : index
    %swap3A_42 = arith.constant 0 : index
    %swap3A_43 = vector.load %arg4[%swap3A, %swap3A_42] : memref<1024x128xf32, #tpu.memory_space<vmem>>, vector<1024x128xf32>
    tpu.vector_store %arg4[%swap3A, %swap3A_42], %max3A_41 {strides = array<i32>} : memref<1024x128xf32, #tpu.memory_space<vmem>>, vector<1024x128xf32>,
    %swap3A_44 = arith.constant 0 : index
    %swap3A_45 = arith.constant 0 : index
    %swap3A_46 = vector.load %arg5[%swap3A_44, %swap3A_45] : memref<2048x64xf32, #tpu.memory_space<vmem>>, vector<2048x64xf32>
    tpu.vector_store %arg5[%swap3A_44, %swap3A_45], %get3A_4 {strides = array<i32>} : memref<2048x64xf32, #tpu.memory_space<vmem>>, vector<2048x64xf32>,
    %eq3A = arith.constant 0 : i32
    %eq3A_47 = arith.cmpi eq, %arg0, %eq3A : i32
    %convert_element_type3A = arith.extui %eq3A_47 : i1 to i32
    %cond3A = arith.constant 0 : i32
    %cond3A_48 = arith.cmpi ne, %convert_element_type3A, %cond3A : i32
    scf.if %cond3A_48 {
      %swap3A_62 = arith.constant 0 : index
      %swap3A_63 = arith.constant 0 : index
      %swap3A_64 = vector.load %arg5[%swap3A_62, %swap3A_63] : memref<2048x64xf32, #tpu.memory_space<vmem>>, vector<1024x64xf32>
      tpu.vector_store %arg5[%swap3A_62, %swap3A_63], %get3A_1 {strides = array<i32>} : memref<2048x64xf32, #tpu.memory_space<vmem>>, vector<1024x64xf32>,
    } else {
    }
    %gt3A_49 = arith.constant 0.000000e+00 : f32
    %gt3A_50 = vector.broadcast %gt3A_49 : f32 to vector<1x2048xf32>
    %gt3A_51 = arith.cmpf ogt, %get3A_8, %gt3A_50 : vector<1x2048xf32>
    %jit3A_52 = arith.constant 0.000000e+00 : f32
    %jit3A_53 = arith.constant -1.000000e+30 : f32
    %broadcast_in_dim3A_54 = vector.broadcast %jit3A_52 : f32 to vector<1x2048xf32>
    %broadcast_in_dim3A_55 = vector.broadcast %jit3A_53 : f32 to vector<1x2048xf32>
    %select_n3A_56 = arith.select %gt3A_51, %broadcast_in_dim3A_54, %broadcast_in_dim3A_55 : vector<1x2048xi1>, vector<1x2048xf32>
    %transpose3A = tpu.transpose %select_n3A_56, [1, 0] : vector<1x2048xf32> -> vector<2048x1xf32>
    %broadcast_in_dim3A_57 = arith.constant 0.000000e+00 : f32
    %broadcast_in_dim3A_58 = vector.broadcast %broadcast_in_dim3A_57 : f32 to vector<2048x63xf32>
    %concatenate3A = tpu.concatenate %get3A_4, %transpose3A, %broadcast_in_dim3A_58 in 1 : vector<2048x64xf32>, vector<2048x1xf32>, vector<2048x63xf32> -> vector<2048x128xf32>
    %swap3A_59 = arith.constant 0 : index
    %swap3A_60 = arith.constant 0 : index
    %swap3A_61 = vector.load %arg6[%swap3A_59, %swap3A_60] : memref<2048x128xf32, #tpu.memory_space<vmem>>, vector<2048x128xf32>
    tpu.vector_store %arg6[%swap3A_59, %swap3A_60], %concatenate3A {strides = array<i32>} : memref<2048x128xf32, #tpu.memory_space<vmem>>, vector<2048x128xf32>,
    return
  }
  func.func @transform_0(%arg0: i32) -> (i32, i32) {
    %c0_i32 = arith.constant 0 : i32
    %c0_i32_0 = arith.constant 0 : i32
    %c0_i32_1 = arith.constant 0 : i32
    return %c0_i32, %c0_i32_0 : i32, i32
  }
  func.func @transform_1(%arg0: i32) -> (i32, i32) {
    %c0_i32 = arith.constant 0 : i32
    %c0_i32_0 = arith.constant 0 : i32
    return %arg0, %c0_i32 : i32, i32
  }
  func.func @transform_2(%arg0: i32) -> (i32, i32) {
    %c0_i32 = arith.constant 0 : i32
    %c0_i32_0 = arith.constant 0 : i32
    return %c0_i32, %arg0 : i32, i32
  }
  func.func @transform_3(%arg0: i32) -> (i32, i32) {
    %c0_i32 = arith.constant 0 : i32
    %c0_i32_0 = arith.constant 0 : i32
    return %c0_i32, %arg0 : i32, i32
  }
  func.func @transform_4(%arg0: i32) -> (i32, i32) {
    %c0_i32 = arith.constant 0 : i32
    %c0_i32_0 = arith.constant 0 : i32
    return %arg0, %c0_i32 : i32, i32
  }
  func.func @transform_5(%arg0: i32) -> (i32, i32) {
    %c0_i32 = arith.constant 0 : i32
    %c0_i32_0 = arith.constant 0 : i32
    return %arg0, %c0_i32 : i32, i32
  }
}

module attributes {stable_mosaic.version = 14 : i64} {
  func.func @_k2_body(%arg0: i32, %arg1: memref<256x6272xf32, #tpu.memory_space<vmem>>, %arg2: memref<256x128xi32, #tpu.memory_space<vmem>>) attributes {dimension_semantics = [#tpu.dimension_semantics<arbitrary>], iteration_bounds = array<i64: 4>, scalar_prefetch = 0 : i64, scratch_operands = 0 : i64, tpu.core_type = #tpu.core_type<tc>, window_params = [{transform_indices = @transform_0, window_bounds = array<i64: 256, 6272>}, {transform_indices = @transform_1, window_bounds = array<i64: 256, 128>}]} {
    %get3A = arith.constant 0 : index
    %get3A_0 = arith.constant 0 : index
    %get3A_1 = vector.load %arg1[%get3A, %get3A_0] : memref<256x6272xf32, #tpu.memory_space<vmem>>, vector<256x6272xf32>
    %iota3A = tpu.iota {dimensions = array<i32: 1>} : vector<256x6272xi32>
    %iota3A_2 = tpu.iota {dimensions = array<i32: 1>} : vector<256x128xi32>
    %broadcast_in_dim3A = arith.constant 0 : i32
    %broadcast_in_dim3A_3 = vector.broadcast %broadcast_in_dim3A : i32 to vector<256x128xi32>
    %reduce_max3A = arith.constant dense<0xFF800000> : vector<256xf32>
    %reduce_max3A_4 = vector.multi_reduction <maximumf>, %get3A_1, %reduce_max3A [1] : vector<256x6272xf32> to vector<256xf32>
    %broadcast_in_dim3A_5 = vector.shape_cast %reduce_max3A_4 : vector<256xf32> to vector<256x1xf32>
    %eq3A = vector.broadcast %broadcast_in_dim3A_5 : vector<256x1xf32> to vector<256x6272xf32>
    %eq3A_6 = arith.cmpf oeq, %get3A_1, %eq3A : vector<256x6272xf32>
    %jit3A = arith.constant 1073741824 : i32
    %broadcast_in_dim3A_7 = vector.broadcast %jit3A : i32 to vector<256x6272xi32>
    %select_n3A = arith.select %eq3A_6, %iota3A, %broadcast_in_dim3A_7 : vector<256x6272xi1>, vector<256x6272xi32>
    %reduce_min3A = arith.constant dense<2147483647> : vector<256xi32>
    %reduce_min3A_8 = vector.multi_reduction <minsi>, %select_n3A, %reduce_min3A [1] : vector<256x6272xi32> to vector<256xi32>
    %broadcast_in_dim3A_9 = vector.shape_cast %reduce_min3A_8 : vector<256xi32> to vector<256x1xi32>
    %eq3A_10 = arith.constant 0 : i32
    %eq3A_11 = vector.broadcast %eq3A_10 : i32 to vector<256x128xi32>
    %eq3A_12 = arith.cmpi eq, %iota3A_2, %eq3A_11 : vector<256x128xi32>
    %broadcast_in_dim3A_13 = vector.shape_cast %broadcast_in_dim3A_9 : vector<256x1xi32> to vector<256x1xi32>
    %broadcast_in_dim3A_14 = vector.broadcast %broadcast_in_dim3A_13 : vector<256x1xi32> to vector<256x128xi32>
    %select_n3A_15 = arith.select %eq3A_12, %broadcast_in_dim3A_14, %broadcast_in_dim3A_3 : vector<256x128xi1>, vector<256x128xi32>
    %jit3A_16 = arith.constant 0xFF800000 : f32
    %broadcast_in_dim3A_17 = vector.broadcast %jit3A_16 : f32 to vector<256x6272xf32>
    %select_n3A_18 = arith.select %eq3A_6, %broadcast_in_dim3A_17, %get3A_1 : vector<256x6272xi1>, vector<256x6272xf32>
    %reduce_max3A_19 = arith.constant dense<0xFF800000> : vector<256xf32>
    %reduce_max3A_20 = vector.multi_reduction <maximumf>, %select_n3A_18, %reduce_max3A_19 [1] : vector<256x6272xf32> to vector<256xf32>
    %broadcast_in_dim3A_21 = vector.shape_cast %reduce_max3A_20 : vector<256xf32> to vector<256x1xf32>
    %eq3A_22 = vector.broadcast %broadcast_in_dim3A_21 : vector<256x1xf32> to vector<256x6272xf32>
    %eq3A_23 = arith.cmpf oeq, %select_n3A_18, %eq3A_22 : vector<256x6272xf32>
    %jit3A_24 = arith.constant 1073741824 : i32
    %broadcast_in_dim3A_25 = vector.broadcast %jit3A_24 : i32 to vector<256x6272xi32>
    %select_n3A_26 = arith.select %eq3A_23, %iota3A, %broadcast_in_dim3A_25 : vector<256x6272xi1>, vector<256x6272xi32>
    %reduce_min3A_27 = arith.constant dense<2147483647> : vector<256xi32>
    %reduce_min3A_28 = vector.multi_reduction <minsi>, %select_n3A_26, %reduce_min3A_27 [1] : vector<256x6272xi32> to vector<256xi32>
    %broadcast_in_dim3A_29 = vector.shape_cast %reduce_min3A_28 : vector<256xi32> to vector<256x1xi32>
    %eq3A_30 = arith.constant 1 : i32
    %eq3A_31 = vector.broadcast %eq3A_30 : i32 to vector<256x128xi32>
    %eq3A_32 = arith.cmpi eq, %iota3A_2, %eq3A_31 : vector<256x128xi32>
    %broadcast_in_dim3A_33 = vector.shape_cast %broadcast_in_dim3A_29 : vector<256x1xi32> to vector<256x1xi32>
    %broadcast_in_dim3A_34 = vector.broadcast %broadcast_in_dim3A_33 : vector<256x1xi32> to vector<256x128xi32>
    %select_n3A_35 = arith.select %eq3A_32, %broadcast_in_dim3A_34, %select_n3A_15 : vector<256x128xi1>, vector<256x128xi32>
    %jit3A_36 = arith.constant 0xFF800000 : f32
    %broadcast_in_dim3A_37 = vector.broadcast %jit3A_36 : f32 to vector<256x6272xf32>
    %select_n3A_38 = arith.select %eq3A_23, %broadcast_in_dim3A_37, %select_n3A_18 : vector<256x6272xi1>, vector<256x6272xf32>
    %reduce_max3A_39 = arith.constant dense<0xFF800000> : vector<256xf32>
    %reduce_max3A_40 = vector.multi_reduction <maximumf>, %select_n3A_38, %reduce_max3A_39 [1] : vector<256x6272xf32> to vector<256xf32>
    %broadcast_in_dim3A_41 = vector.shape_cast %reduce_max3A_40 : vector<256xf32> to vector<256x1xf32>
    %eq3A_42 = vector.broadcast %broadcast_in_dim3A_41 : vector<256x1xf32> to vector<256x6272xf32>
    %eq3A_43 = arith.cmpf oeq, %select_n3A_38, %eq3A_42 : vector<256x6272xf32>
    %jit3A_44 = arith.constant 1073741824 : i32
    %broadcast_in_dim3A_45 = vector.broadcast %jit3A_44 : i32 to vector<256x6272xi32>
    %select_n3A_46 = arith.select %eq3A_43, %iota3A, %broadcast_in_dim3A_45 : vector<256x6272xi1>, vector<256x6272xi32>
    %reduce_min3A_47 = arith.constant dense<2147483647> : vector<256xi32>
    %reduce_min3A_48 = vector.multi_reduction <minsi>, %select_n3A_46, %reduce_min3A_47 [1] : vector<256x6272xi32> to vector<256xi32>
    %broadcast_in_dim3A_49 = vector.shape_cast %reduce_min3A_48 : vector<256xi32> to vector<256x1xi32>
    %eq3A_50 = arith.constant 2 : i32
    %eq3A_51 = vector.broadcast %eq3A_50 : i32 to vector<256x128xi32>
    %eq3A_52 = arith.cmpi eq, %iota3A_2, %eq3A_51 : vector<256x128xi32>
    %broadcast_in_dim3A_53 = vector.shape_cast %broadcast_in_dim3A_49 : vector<256x1xi32> to vector<256x1xi32>
    %broadcast_in_dim3A_54 = vector.broadcast %broadcast_in_dim3A_53 : vector<256x1xi32> to vector<256x128xi32>
    %select_n3A_55 = arith.select %eq3A_52, %broadcast_in_dim3A_54, %select_n3A_35 : vector<256x128xi1>, vector<256x128xi32>
    %jit3A_56 = arith.constant 0xFF800000 : f32
    %broadcast_in_dim3A_57 = vector.broadcast %jit3A_56 : f32 to vector<256x6272xf32>
    %select_n3A_58 = arith.select %eq3A_43, %broadcast_in_dim3A_57, %select_n3A_38 : vector<256x6272xi1>, vector<256x6272xf32>
    %reduce_max3A_59 = arith.constant dense<0xFF800000> : vector<256xf32>
    %reduce_max3A_60 = vector.multi_reduction <maximumf>, %select_n3A_58, %reduce_max3A_59 [1] : vector<256x6272xf32> to vector<256xf32>
    %broadcast_in_dim3A_61 = vector.shape_cast %reduce_max3A_60 : vector<256xf32> to vector<256x1xf32>
    %eq3A_62 = vector.broadcast %broadcast_in_dim3A_61 : vector<256x1xf32> to vector<256x6272xf32>
    %eq3A_63 = arith.cmpf oeq, %select_n3A_58, %eq3A_62 : vector<256x6272xf32>
    %jit3A_64 = arith.constant 1073741824 : i32
    %broadcast_in_dim3A_65 = vector.broadcast %jit3A_64 : i32 to vector<256x6272xi32>
    %select_n3A_66 = arith.select %eq3A_63, %iota3A, %broadcast_in_dim3A_65 : vector<256x6272xi1>, vector<256x6272xi32>
    %reduce_min3A_67 = arith.constant dense<2147483647> : vector<256xi32>
    %reduce_min3A_68 = vector.multi_reduction <minsi>, %select_n3A_66, %reduce_min3A_67 [1] : vector<256x6272xi32> to vector<256xi32>
    %broadcast_in_dim3A_69 = vector.shape_cast %reduce_min3A_68 : vector<256xi32> to vector<256x1xi32>
    %eq3A_70 = arith.constant 3 : i32
    %eq3A_71 = vector.broadcast %eq3A_70 : i32 to vector<256x128xi32>
    %eq3A_72 = arith.cmpi eq, %iota3A_2, %eq3A_71 : vector<256x128xi32>
    %broadcast_in_dim3A_73 = vector.shape_cast %broadcast_in_dim3A_69 : vector<256x1xi32> to vector<256x1xi32>
    %broadcast_in_dim3A_74 = vector.broadcast %broadcast_in_dim3A_73 : vector<256x1xi32> to vector<256x128xi32>
    %select_n3A_75 = arith.select %eq3A_72, %broadcast_in_dim3A_74, %select_n3A_55 : vector<256x128xi1>, vector<256x128xi32>
    %jit3A_76 = arith.constant 0xFF800000 : f32
    %broadcast_in_dim3A_77 = vector.broadcast %jit3A_76 : f32 to vector<256x6272xf32>
    %select_n3A_78 = arith.select %eq3A_63, %broadcast_in_dim3A_77, %select_n3A_58 : vector<256x6272xi1>, vector<256x6272xf32>
    %reduce_max3A_79 = arith.constant dense<0xFF800000> : vector<256xf32>
    %reduce_max3A_80 = vector.multi_reduction <maximumf>, %select_n3A_78, %reduce_max3A_79 [1] : vector<256x6272xf32> to vector<256xf32>
    %broadcast_in_dim3A_81 = vector.shape_cast %reduce_max3A_80 : vector<256xf32> to vector<256x1xf32>
    %eq3A_82 = vector.broadcast %broadcast_in_dim3A_81 : vector<256x1xf32> to vector<256x6272xf32>
    %eq3A_83 = arith.cmpf oeq, %select_n3A_78, %eq3A_82 : vector<256x6272xf32>
    %jit3A_84 = arith.constant 1073741824 : i32
    %broadcast_in_dim3A_85 = vector.broadcast %jit3A_84 : i32 to vector<256x6272xi32>
    %select_n3A_86 = arith.select %eq3A_83, %iota3A, %broadcast_in_dim3A_85 : vector<256x6272xi1>, vector<256x6272xi32>
    %reduce_min3A_87 = arith.constant dense<2147483647> : vector<256xi32>
    %reduce_min3A_88 = vector.multi_reduction <minsi>, %select_n3A_86, %reduce_min3A_87 [1] : vector<256x6272xi32> to vector<256xi32>
    %broadcast_in_dim3A_89 = vector.shape_cast %reduce_min3A_88 : vector<256xi32> to vector<256x1xi32>
    %eq3A_90 = arith.constant 4 : i32
    %eq3A_91 = vector.broadcast %eq3A_90 : i32 to vector<256x128xi32>
    %eq3A_92 = arith.cmpi eq, %iota3A_2, %eq3A_91 : vector<256x128xi32>
    %broadcast_in_dim3A_93 = vector.shape_cast %broadcast_in_dim3A_89 : vector<256x1xi32> to vector<256x1xi32>
    %broadcast_in_dim3A_94 = vector.broadcast %broadcast_in_dim3A_93 : vector<256x1xi32> to vector<256x128xi32>
    %select_n3A_95 = arith.select %eq3A_92, %broadcast_in_dim3A_94, %select_n3A_75 : vector<256x128xi1>, vector<256x128xi32>
    %jit3A_96 = arith.constant 0xFF800000 : f32
    %broadcast_in_dim3A_97 = vector.broadcast %jit3A_96 : f32 to vector<256x6272xf32>
    %select_n3A_98 = arith.select %eq3A_83, %broadcast_in_dim3A_97, %select_n3A_78 : vector<256x6272xi1>, vector<256x6272xf32>
    %reduce_max3A_99 = arith.constant dense<0xFF800000> : vector<256xf32>
    %reduce_max3A_100 = vector.multi_reduction <maximumf>, %select_n3A_98, %reduce_max3A_99 [1] : vector<256x6272xf32> to vector<256xf32>
    %broadcast_in_dim3A_101 = vector.shape_cast %reduce_max3A_100 : vector<256xf32> to vector<256x1xf32>
    %eq3A_102 = vector.broadcast %broadcast_in_dim3A_101 : vector<256x1xf32> to vector<256x6272xf32>
    %eq3A_103 = arith.cmpf oeq, %select_n3A_98, %eq3A_102 : vector<256x6272xf32>
    %jit3A_104 = arith.constant 1073741824 : i32
    %broadcast_in_dim3A_105 = vector.broadcast %jit3A_104 : i32 to vector<256x6272xi32>
    %select_n3A_106 = arith.select %eq3A_103, %iota3A, %broadcast_in_dim3A_105 : vector<256x6272xi1>, vector<256x6272xi32>
    %reduce_min3A_107 = arith.constant dense<2147483647> : vector<256xi32>
    %reduce_min3A_108 = vector.multi_reduction <minsi>, %select_n3A_106, %reduce_min3A_107 [1] : vector<256x6272xi32> to vector<256xi32>
    %broadcast_in_dim3A_109 = vector.shape_cast %reduce_min3A_108 : vector<256xi32> to vector<256x1xi32>
    %eq3A_110 = arith.constant 5 : i32
    %eq3A_111 = vector.broadcast %eq3A_110 : i32 to vector<256x128xi32>
    %eq3A_112 = arith.cmpi eq, %iota3A_2, %eq3A_111 : vector<256x128xi32>
    %broadcast_in_dim3A_113 = vector.shape_cast %broadcast_in_dim3A_109 : vector<256x1xi32> to vector<256x1xi32>
    %broadcast_in_dim3A_114 = vector.broadcast %broadcast_in_dim3A_113 : vector<256x1xi32> to vector<256x128xi32>
    %select_n3A_115 = arith.select %eq3A_112, %broadcast_in_dim3A_114, %select_n3A_95 : vector<256x128xi1>, vector<256x128xi32>
    %jit3A_116 = arith.constant 0xFF800000 : f32
    %broadcast_in_dim3A_117 = vector.broadcast %jit3A_116 : f32 to vector<256x6272xf32>
    %select_n3A_118 = arith.select %eq3A_103, %broadcast_in_dim3A_117, %select_n3A_98 : vector<256x6272xi1>, vector<256x6272xf32>
    %reduce_max3A_119 = arith.constant dense<0xFF800000> : vector<256xf32>
    %reduce_max3A_120 = vector.multi_reduction <maximumf>, %select_n3A_118, %reduce_max3A_119 [1] : vector<256x6272xf32> to vector<256xf32>
    %broadcast_in_dim3A_121 = vector.shape_cast %reduce_max3A_120 : vector<256xf32> to vector<256x1xf32>
    %eq3A_122 = vector.broadcast %broadcast_in_dim3A_121 : vector<256x1xf32> to vector<256x6272xf32>
    %eq3A_123 = arith.cmpf oeq, %select_n3A_118, %eq3A_122 : vector<256x6272xf32>
    %jit3A_124 = arith.constant 1073741824 : i32
    %broadcast_in_dim3A_125 = vector.broadcast %jit3A_124 : i32 to vector<256x6272xi32>
    %select_n3A_126 = arith.select %eq3A_123, %iota3A, %broadcast_in_dim3A_125 : vector<256x6272xi1>, vector<256x6272xi32>
    %reduce_min3A_127 = arith.constant dense<2147483647> : vector<256xi32>
    %reduce_min3A_128 = vector.multi_reduction <minsi>, %select_n3A_126, %reduce_min3A_127 [1] : vector<256x6272xi32> to vector<256xi32>
    %broadcast_in_dim3A_129 = vector.shape_cast %reduce_min3A_128 : vector<256xi32> to vector<256x1xi32>
    %eq3A_130 = arith.constant 6 : i32
    %eq3A_131 = vector.broadcast %eq3A_130 : i32 to vector<256x128xi32>
    %eq3A_132 = arith.cmpi eq, %iota3A_2, %eq3A_131 : vector<256x128xi32>
    %broadcast_in_dim3A_133 = vector.shape_cast %broadcast_in_dim3A_129 : vector<256x1xi32> to vector<256x1xi32>
    %broadcast_in_dim3A_134 = vector.broadcast %broadcast_in_dim3A_133 : vector<256x1xi32> to vector<256x128xi32>
    %select_n3A_135 = arith.select %eq3A_132, %broadcast_in_dim3A_134, %select_n3A_115 : vector<256x128xi1>, vector<256x128xi32>
    %jit3A_136 = arith.constant 0xFF800000 : f32
    %broadcast_in_dim3A_137 = vector.broadcast %jit3A_136 : f32 to vector<256x6272xf32>
    %select_n3A_138 = arith.select %eq3A_123, %broadcast_in_dim3A_137, %select_n3A_118 : vector<256x6272xi1>, vector<256x6272xf32>
    %reduce_max3A_139 = arith.constant dense<0xFF800000> : vector<256xf32>
    %reduce_max3A_140 = vector.multi_reduction <maximumf>, %select_n3A_138, %reduce_max3A_139 [1] : vector<256x6272xf32> to vector<256xf32>
    %broadcast_in_dim3A_141 = vector.shape_cast %reduce_max3A_140 : vector<256xf32> to vector<256x1xf32>
    %eq3A_142 = vector.broadcast %broadcast_in_dim3A_141 : vector<256x1xf32> to vector<256x6272xf32>
    %eq3A_143 = arith.cmpf oeq, %select_n3A_138, %eq3A_142 : vector<256x6272xf32>
    %jit3A_144 = arith.constant 1073741824 : i32
    %broadcast_in_dim3A_145 = vector.broadcast %jit3A_144 : i32 to vector<256x6272xi32>
    %select_n3A_146 = arith.select %eq3A_143, %iota3A, %broadcast_in_dim3A_145 : vector<256x6272xi1>, vector<256x6272xi32>
    %reduce_min3A_147 = arith.constant dense<2147483647> : vector<256xi32>
    %reduce_min3A_148 = vector.multi_reduction <minsi>, %select_n3A_146, %reduce_min3A_147 [1] : vector<256x6272xi32> to vector<256xi32>
    %broadcast_in_dim3A_149 = vector.shape_cast %reduce_min3A_148 : vector<256xi32> to vector<256x1xi32>
    %eq3A_150 = arith.constant 7 : i32
    %eq3A_151 = vector.broadcast %eq3A_150 : i32 to vector<256x128xi32>
    %eq3A_152 = arith.cmpi eq, %iota3A_2, %eq3A_151 : vector<256x128xi32>
    %broadcast_in_dim3A_153 = vector.shape_cast %broadcast_in_dim3A_149 : vector<256x1xi32> to vector<256x1xi32>
    %broadcast_in_dim3A_154 = vector.broadcast %broadcast_in_dim3A_153 : vector<256x1xi32> to vector<256x128xi32>
    %select_n3A_155 = arith.select %eq3A_152, %broadcast_in_dim3A_154, %select_n3A_135 : vector<256x128xi1>, vector<256x128xi32>
    %swap3A = arith.constant 0 : index
    %swap3A_156 = arith.constant 0 : index
    %swap3A_157 = vector.load %arg2[%swap3A, %swap3A_156] : memref<256x128xi32, #tpu.memory_space<vmem>>, vector<256x128xi32>
    tpu.vector_store %arg2[%swap3A, %swap3A_156], %select_n3A_155 {strides = array<i32>} : memref<256x128xi32, #tpu.memory_space<vmem>>, vector<256x128xi32>,
    return
  }
  func.func @transform_0(%arg0: i32) -> (i32, i32) {
    %c0_i32 = arith.constant 0 : i32
    %c0_i32_0 = arith.constant 0 : i32
    return %arg0, %c0_i32 : i32, i32
  }
  func.func @transform_1(%arg0: i32) -> (i32, i32) {
    %c0_i32 = arith.constant 0 : i32
    %c0_i32_0 = arith.constant 0 : i32
    return %arg0, %c0_i32 : i32, i32
  }
}

module attributes {stable_mosaic.version = 14 : i64} {
  func.func @_k4_body(%arg0: i32, %arg1: memref<16384x128xf32, #tpu.memory_space<vmem>>, %arg2: memref<128x128xi32, #tpu.memory_space<vmem>>, %arg3: memref<128x64xf32, #tpu.memory_space<vmem>>, %arg4: memref<128x128xi32, #tpu.memory_space<vmem>>) attributes {dimension_semantics = [#tpu.dimension_semantics<arbitrary>], iteration_bounds = array<i64: 8>, scalar_prefetch = 0 : i64, scratch_operands = 0 : i64, tpu.core_type = #tpu.core_type<tc>, window_params = [{transform_indices = @transform_0, window_bounds = array<i64: 16384, 128>}, {transform_indices = @transform_1, window_bounds = array<i64: 128, 128>}, {transform_indices = @transform_2, window_bounds = array<i64: 128, 64>}, {transform_indices = @transform_3, window_bounds = array<i64: 128, 128>}]} {
    %get3A = arith.constant 0 : index
    %get3A_0 = arith.constant 0 : index
    %get3A_1 = vector.load %arg1[%get3A, %get3A_0] : memref<16384x128xf32, #tpu.memory_space<vmem>>, vector<16384x128xf32>
    %reshape3A = vector.shape_cast %get3A_1 : vector<16384x128xf32> to vector<128x128x128xf32>
    %get3A_2 = arith.constant 0 : index
    %get3A_3 = arith.constant 0 : index
    %get3A_4 = vector.load %arg3[%get3A_2, %get3A_3] : memref<128x64xf32, #tpu.memory_space<vmem>>, vector<128x64xf32>
    %broadcast_in_dim3A = arith.constant 1.000000e+00 : f32
    %broadcast_in_dim3A_5 = vector.broadcast %broadcast_in_dim3A : f32 to vector<128x1xf32>
    %broadcast_in_dim3A_6 = arith.constant 0.000000e+00 : f32
    %broadcast_in_dim3A_7 = vector.broadcast %broadcast_in_dim3A_6 : f32 to vector<128x63xf32>
    %concatenate3A = tpu.concatenate %get3A_4, %broadcast_in_dim3A_5, %broadcast_in_dim3A_7 in 1 : vector<128x64xf32>, vector<128x1xf32>, vector<128x63xf32> -> vector<128x128xf32>
    %broadcast_in_dim3A_8 = vector.shape_cast %concatenate3A : vector<128x128xf32> to vector<128x1x128xf32>
    %mul3A = vector.broadcast %broadcast_in_dim3A_8 : vector<128x1x128xf32> to vector<128x128x128xf32>
    %mul3A_9 = arith.mulf %reshape3A, %mul3A : vector<128x128x128xf32>
    %reduce_sum3A = arith.constant dense<0.000000e+00> : vector<128x128xf32>
    %reduce_sum3A_10 = vector.multi_reduction <add>, %mul3A_9, %reduce_sum3A [2] : vector<128x128x128xf32> to vector<128x128xf32>
    %get3A_11 = arith.constant 0 : index
    %get3A_12 = arith.constant 0 : index
    %get3A_13 = vector.load %arg2[%get3A_11, %get3A_12] : memref<128x128xi32, #tpu.memory_space<vmem>>, vector<128x128xi32>
    %lt3A = arith.constant 100000 : i32
    %lt3A_14 = vector.broadcast %lt3A : i32 to vector<128x128xi32>
    %lt3A_15 = arith.cmpi slt, %get3A_13, %lt3A_14 : vector<128x128xi32>
    %jit3A = arith.constant 0xFF800000 : f32
    %broadcast_in_dim3A_16 = vector.broadcast %jit3A : f32 to vector<128x128xf32>
    %select_n3A = arith.select %lt3A_15, %reduce_sum3A_10, %broadcast_in_dim3A_16 : vector<128x128xi1>, vector<128x128xf32>
    %iota3A = tpu.iota {dimensions = array<i32: 1>} : vector<128x128xi32>
    %broadcast_in_dim3A_17 = arith.constant 0 : i32
    %broadcast_in_dim3A_18 = vector.broadcast %broadcast_in_dim3A_17 : i32 to vector<128x128xi32>
    %broadcast_in_dim3A_19 = arith.constant 0 : i32
    %broadcast_in_dim3A_20 = vector.broadcast %broadcast_in_dim3A_19 : i32 to vector<128x1xi32>
    %reduce_max3A = arith.constant dense<0xFF800000> : vector<128xf32>
    %reduce_max3A_21 = vector.multi_reduction <maximumf>, %select_n3A, %reduce_max3A [1] : vector<128x128xf32> to vector<128xf32>
    %broadcast_in_dim3A_22 = vector.shape_cast %reduce_max3A_21 : vector<128xf32> to vector<128x1xf32>
    %eq3A = vector.broadcast %broadcast_in_dim3A_22 : vector<128x1xf32> to vector<128x128xf32>
    %eq3A_23 = arith.cmpf oeq, %select_n3A, %eq3A : vector<128x128xf32>
    %jit3A_24 = arith.constant 1073741824 : i32
    %broadcast_in_dim3A_25 = vector.broadcast %jit3A_24 : i32 to vector<128x128xi32>
    %select_n3A_26 = arith.select %eq3A_23, %get3A_13, %broadcast_in_dim3A_25 : vector<128x128xi1>, vector<128x128xi32>
    %reduce_min3A = arith.constant dense<2147483647> : vector<128xi32>
    %reduce_min3A_27 = vector.multi_reduction <minsi>, %select_n3A_26, %reduce_min3A [1] : vector<128x128xi32> to vector<128xi32>
    %broadcast_in_dim3A_28 = vector.shape_cast %reduce_min3A_27 : vector<128xi32> to vector<128x1xi32>
    %eq3A_29 = arith.constant 0 : i32
    %eq3A_30 = vector.broadcast %eq3A_29 : i32 to vector<128x128xi32>
    %eq3A_31 = arith.cmpi eq, %iota3A, %eq3A_30 : vector<128x128xi32>
    %broadcast_in_dim3A_32 = vector.shape_cast %broadcast_in_dim3A_28 : vector<128x1xi32> to vector<128x1xi32>
    %broadcast_in_dim3A_33 = vector.broadcast %broadcast_in_dim3A_32 : vector<128x1xi32> to vector<128x128xi32>
    %select_n3A_34 = arith.select %eq3A_31, %broadcast_in_dim3A_33, %broadcast_in_dim3A_18 : vector<128x128xi1>, vector<128x128xi32>
    %gt3A = arith.constant -1.000000e+29 : f32
    %gt3A_35 = vector.broadcast %gt3A : f32 to vector<128x1xf32>
    %gt3A_36 = arith.cmpf ogt, %broadcast_in_dim3A_22, %gt3A_35 : vector<128x1xf32>
    %convert_element_type3A = arith.extui %gt3A_36 : vector<128x1xi1> to vector<128x1xi32>
    %add3A = arith.addi %broadcast_in_dim3A_20, %convert_element_type3A : vector<128x1xi32>
    %jit3A_37 = arith.constant 0xFF800000 : f32
    %broadcast_in_dim3A_38 = vector.broadcast %jit3A_37 : f32 to vector<128x128xf32>
    %select_n3A_39 = arith.select %eq3A_23, %broadcast_in_dim3A_38, %select_n3A : vector<128x128xi1>, vector<128x128xf32>
    %reduce_max3A_40 = arith.constant dense<0xFF800000> : vector<128xf32>
    %reduce_max3A_41 = vector.multi_reduction <maximumf>, %select_n3A_39, %reduce_max3A_40 [1] : vector<128x128xf32> to vector<128xf32>
    %broadcast_in_dim3A_42 = vector.shape_cast %reduce_max3A_41 : vector<128xf32> to vector<128x1xf32>
    %eq3A_43 = vector.broadcast %broadcast_in_dim3A_42 : vector<128x1xf32> to vector<128x128xf32>
    %eq3A_44 = arith.cmpf oeq, %select_n3A_39, %eq3A_43 : vector<128x128xf32>
    %jit3A_45 = arith.constant 1073741824 : i32
    %broadcast_in_dim3A_46 = vector.broadcast %jit3A_45 : i32 to vector<128x128xi32>
    %select_n3A_47 = arith.select %eq3A_44, %get3A_13, %broadcast_in_dim3A_46 : vector<128x128xi1>, vector<128x128xi32>
    %reduce_min3A_48 = arith.constant dense<2147483647> : vector<128xi32>
    %reduce_min3A_49 = vector.multi_reduction <minsi>, %select_n3A_47, %reduce_min3A_48 [1] : vector<128x128xi32> to vector<128xi32>
    %broadcast_in_dim3A_50 = vector.shape_cast %reduce_min3A_49 : vector<128xi32> to vector<128x1xi32>
    %eq3A_51 = arith.constant 1 : i32
    %eq3A_52 = vector.broadcast %eq3A_51 : i32 to vector<128x128xi32>
    %eq3A_53 = arith.cmpi eq, %iota3A, %eq3A_52 : vector<128x128xi32>
    %broadcast_in_dim3A_54 = vector.shape_cast %broadcast_in_dim3A_50 : vector<128x1xi32> to vector<128x1xi32>
    %broadcast_in_dim3A_55 = vector.broadcast %broadcast_in_dim3A_54 : vector<128x1xi32> to vector<128x128xi32>
    %select_n3A_56 = arith.select %eq3A_53, %broadcast_in_dim3A_55, %select_n3A_34 : vector<128x128xi1>, vector<128x128xi32>
    %gt3A_57 = arith.constant -1.000000e+29 : f32
    %gt3A_58 = vector.broadcast %gt3A_57 : f32 to vector<128x1xf32>
    %gt3A_59 = arith.cmpf ogt, %broadcast_in_dim3A_42, %gt3A_58 : vector<128x1xf32>
    %convert_element_type3A_60 = arith.extui %gt3A_59 : vector<128x1xi1> to vector<128x1xi32>
    %add3A_61 = arith.addi %add3A, %convert_element_type3A_60 : vector<128x1xi32>
    %jit3A_62 = arith.constant 0xFF800000 : f32
    %broadcast_in_dim3A_63 = vector.broadcast %jit3A_62 : f32 to vector<128x128xf32>
    %select_n3A_64 = arith.select %eq3A_44, %broadcast_in_dim3A_63, %select_n3A_39 : vector<128x128xi1>, vector<128x128xf32>
    %reduce_max3A_65 = arith.constant dense<0xFF800000> : vector<128xf32>
    %reduce_max3A_66 = vector.multi_reduction <maximumf>, %select_n3A_64, %reduce_max3A_65 [1] : vector<128x128xf32> to vector<128xf32>
    %broadcast_in_dim3A_67 = vector.shape_cast %reduce_max3A_66 : vector<128xf32> to vector<128x1xf32>
    %eq3A_68 = vector.broadcast %broadcast_in_dim3A_67 : vector<128x1xf32> to vector<128x128xf32>
    %eq3A_69 = arith.cmpf oeq, %select_n3A_64, %eq3A_68 : vector<128x128xf32>
    %jit3A_70 = arith.constant 1073741824 : i32
    %broadcast_in_dim3A_71 = vector.broadcast %jit3A_70 : i32 to vector<128x128xi32>
    %select_n3A_72 = arith.select %eq3A_69, %get3A_13, %broadcast_in_dim3A_71 : vector<128x128xi1>, vector<128x128xi32>
    %reduce_min3A_73 = arith.constant dense<2147483647> : vector<128xi32>
    %reduce_min3A_74 = vector.multi_reduction <minsi>, %select_n3A_72, %reduce_min3A_73 [1] : vector<128x128xi32> to vector<128xi32>
    %broadcast_in_dim3A_75 = vector.shape_cast %reduce_min3A_74 : vector<128xi32> to vector<128x1xi32>
    %eq3A_76 = arith.constant 2 : i32
    %eq3A_77 = vector.broadcast %eq3A_76 : i32 to vector<128x128xi32>
    %eq3A_78 = arith.cmpi eq, %iota3A, %eq3A_77 : vector<128x128xi32>
    %broadcast_in_dim3A_79 = vector.shape_cast %broadcast_in_dim3A_75 : vector<128x1xi32> to vector<128x1xi32>
    %broadcast_in_dim3A_80 = vector.broadcast %broadcast_in_dim3A_79 : vector<128x1xi32> to vector<128x128xi32>
    %select_n3A_81 = arith.select %eq3A_78, %broadcast_in_dim3A_80, %select_n3A_56 : vector<128x128xi1>, vector<128x128xi32>
    %gt3A_82 = arith.constant -1.000000e+29 : f32
    %gt3A_83 = vector.broadcast %gt3A_82 : f32 to vector<128x1xf32>
    %gt3A_84 = arith.cmpf ogt, %broadcast_in_dim3A_67, %gt3A_83 : vector<128x1xf32>
    %convert_element_type3A_85 = arith.extui %gt3A_84 : vector<128x1xi1> to vector<128x1xi32>
    %add3A_86 = arith.addi %add3A_61, %convert_element_type3A_85 : vector<128x1xi32>
    %jit3A_87 = arith.constant 0xFF800000 : f32
    %broadcast_in_dim3A_88 = vector.broadcast %jit3A_87 : f32 to vector<128x128xf32>
    %select_n3A_89 = arith.select %eq3A_69, %broadcast_in_dim3A_88, %select_n3A_64 : vector<128x128xi1>, vector<128x128xf32>
    %reduce_max3A_90 = arith.constant dense<0xFF800000> : vector<128xf32>
    %reduce_max3A_91 = vector.multi_reduction <maximumf>, %select_n3A_89, %reduce_max3A_90 [1] : vector<128x128xf32> to vector<128xf32>
    %broadcast_in_dim3A_92 = vector.shape_cast %reduce_max3A_91 : vector<128xf32> to vector<128x1xf32>
    %eq3A_93 = vector.broadcast %broadcast_in_dim3A_92 : vector<128x1xf32> to vector<128x128xf32>
    %eq3A_94 = arith.cmpf oeq, %select_n3A_89, %eq3A_93 : vector<128x128xf32>
    %jit3A_95 = arith.constant 1073741824 : i32
    %broadcast_in_dim3A_96 = vector.broadcast %jit3A_95 : i32 to vector<128x128xi32>
    %select_n3A_97 = arith.select %eq3A_94, %get3A_13, %broadcast_in_dim3A_96 : vector<128x128xi1>, vector<128x128xi32>
    %reduce_min3A_98 = arith.constant dense<2147483647> : vector<128xi32>
    %reduce_min3A_99 = vector.multi_reduction <minsi>, %select_n3A_97, %reduce_min3A_98 [1] : vector<128x128xi32> to vector<128xi32>
    %broadcast_in_dim3A_100 = vector.shape_cast %reduce_min3A_99 : vector<128xi32> to vector<128x1xi32>
    %eq3A_101 = arith.constant 3 : i32
    %eq3A_102 = vector.broadcast %eq3A_101 : i32 to vector<128x128xi32>
    %eq3A_103 = arith.cmpi eq, %iota3A, %eq3A_102 : vector<128x128xi32>
    %broadcast_in_dim3A_104 = vector.shape_cast %broadcast_in_dim3A_100 : vector<128x1xi32> to vector<128x1xi32>
    %broadcast_in_dim3A_105 = vector.broadcast %broadcast_in_dim3A_104 : vector<128x1xi32> to vector<128x128xi32>
    %select_n3A_106 = arith.select %eq3A_103, %broadcast_in_dim3A_105, %select_n3A_81 : vector<128x128xi1>, vector<128x128xi32>
    %gt3A_107 = arith.constant -1.000000e+29 : f32
    %gt3A_108 = vector.broadcast %gt3A_107 : f32 to vector<128x1xf32>
    %gt3A_109 = arith.cmpf ogt, %broadcast_in_dim3A_92, %gt3A_108 : vector<128x1xf32>
    %convert_element_type3A_110 = arith.extui %gt3A_109 : vector<128x1xi1> to vector<128x1xi32>
    %add3A_111 = arith.addi %add3A_86, %convert_element_type3A_110 : vector<128x1xi32>
    %jit3A_112 = arith.constant 0xFF800000 : f32
    %broadcast_in_dim3A_113 = vector.broadcast %jit3A_112 : f32 to vector<128x128xf32>
    %select_n3A_114 = arith.select %eq3A_94, %broadcast_in_dim3A_113, %select_n3A_89 : vector<128x128xi1>, vector<128x128xf32>
    %reduce_max3A_115 = arith.constant dense<0xFF800000> : vector<128xf32>
    %reduce_max3A_116 = vector.multi_reduction <maximumf>, %select_n3A_114, %reduce_max3A_115 [1] : vector<128x128xf32> to vector<128xf32>
    %broadcast_in_dim3A_117 = vector.shape_cast %reduce_max3A_116 : vector<128xf32> to vector<128x1xf32>
    %eq3A_118 = vector.broadcast %broadcast_in_dim3A_117 : vector<128x1xf32> to vector<128x128xf32>
    %eq3A_119 = arith.cmpf oeq, %select_n3A_114, %eq3A_118 : vector<128x128xf32>
    %jit3A_120 = arith.constant 1073741824 : i32
    %broadcast_in_dim3A_121 = vector.broadcast %jit3A_120 : i32 to vector<128x128xi32>
    %select_n3A_122 = arith.select %eq3A_119, %get3A_13, %broadcast_in_dim3A_121 : vector<128x128xi1>, vector<128x128xi32>
    %reduce_min3A_123 = arith.constant dense<2147483647> : vector<128xi32>
    %reduce_min3A_124 = vector.multi_reduction <minsi>, %select_n3A_122, %reduce_min3A_123 [1] : vector<128x128xi32> to vector<128xi32>
    %broadcast_in_dim3A_125 = vector.shape_cast %reduce_min3A_124 : vector<128xi32> to vector<128x1xi32>
    %eq3A_126 = arith.constant 4 : i32
    %eq3A_127 = vector.broadcast %eq3A_126 : i32 to vector<128x128xi32>
    %eq3A_128 = arith.cmpi eq, %iota3A, %eq3A_127 : vector<128x128xi32>
    %broadcast_in_dim3A_129 = vector.shape_cast %broadcast_in_dim3A_125 : vector<128x1xi32> to vector<128x1xi32>
    %broadcast_in_dim3A_130 = vector.broadcast %broadcast_in_dim3A_129 : vector<128x1xi32> to vector<128x128xi32>
    %select_n3A_131 = arith.select %eq3A_128, %broadcast_in_dim3A_130, %select_n3A_106 : vector<128x128xi1>, vector<128x128xi32>
    %gt3A_132 = arith.constant -1.000000e+29 : f32
    %gt3A_133 = vector.broadcast %gt3A_132 : f32 to vector<128x1xf32>
    %gt3A_134 = arith.cmpf ogt, %broadcast_in_dim3A_117, %gt3A_133 : vector<128x1xf32>
    %convert_element_type3A_135 = arith.extui %gt3A_134 : vector<128x1xi1> to vector<128x1xi32>
    %add3A_136 = arith.addi %add3A_111, %convert_element_type3A_135 : vector<128x1xi32>
    %jit3A_137 = arith.constant 0xFF800000 : f32
    %broadcast_in_dim3A_138 = vector.broadcast %jit3A_137 : f32 to vector<128x128xf32>
    %select_n3A_139 = arith.select %eq3A_119, %broadcast_in_dim3A_138, %select_n3A_114 : vector<128x128xi1>, vector<128x128xf32>
    %reduce_max3A_140 = arith.constant dense<0xFF800000> : vector<128xf32>
    %reduce_max3A_141 = vector.multi_reduction <maximumf>, %select_n3A_139, %reduce_max3A_140 [1] : vector<128x128xf32> to vector<128xf32>
    %broadcast_in_dim3A_142 = vector.shape_cast %reduce_max3A_141 : vector<128xf32> to vector<128x1xf32>
    %eq3A_143 = vector.broadcast %broadcast_in_dim3A_142 : vector<128x1xf32> to vector<128x128xf32>
    %eq3A_144 = arith.cmpf oeq, %select_n3A_139, %eq3A_143 : vector<128x128xf32>
    %jit3A_145 = arith.constant 1073741824 : i32
    %broadcast_in_dim3A_146 = vector.broadcast %jit3A_145 : i32 to vector<128x128xi32>
    %select_n3A_147 = arith.select %eq3A_144, %get3A_13, %broadcast_in_dim3A_146 : vector<128x128xi1>, vector<128x128xi32>
    %reduce_min3A_148 = arith.constant dense<2147483647> : vector<128xi32>
    %reduce_min3A_149 = vector.multi_reduction <minsi>, %select_n3A_147, %reduce_min3A_148 [1] : vector<128x128xi32> to vector<128xi32>
    %broadcast_in_dim3A_150 = vector.shape_cast %reduce_min3A_149 : vector<128xi32> to vector<128x1xi32>
    %eq3A_151 = arith.constant 5 : i32
    %eq3A_152 = vector.broadcast %eq3A_151 : i32 to vector<128x128xi32>
    %eq3A_153 = arith.cmpi eq, %iota3A, %eq3A_152 : vector<128x128xi32>
    %broadcast_in_dim3A_154 = vector.shape_cast %broadcast_in_dim3A_150 : vector<128x1xi32> to vector<128x1xi32>
    %broadcast_in_dim3A_155 = vector.broadcast %broadcast_in_dim3A_154 : vector<128x1xi32> to vector<128x128xi32>
    %select_n3A_156 = arith.select %eq3A_153, %broadcast_in_dim3A_155, %select_n3A_131 : vector<128x128xi1>, vector<128x128xi32>
    %gt3A_157 = arith.constant -1.000000e+29 : f32
    %gt3A_158 = vector.broadcast %gt3A_157 : f32 to vector<128x1xf32>
    %gt3A_159 = arith.cmpf ogt, %broadcast_in_dim3A_142, %gt3A_158 : vector<128x1xf32>
    %convert_element_type3A_160 = arith.extui %gt3A_159 : vector<128x1xi1> to vector<128x1xi32>
    %add3A_161 = arith.addi %add3A_136, %convert_element_type3A_160 : vector<128x1xi32>
    %jit3A_162 = arith.constant 0xFF800000 : f32
    %broadcast_in_dim3A_163 = vector.broadcast %jit3A_162 : f32 to vector<128x128xf32>
    %select_n3A_164 = arith.select %eq3A_144, %broadcast_in_dim3A_163, %select_n3A_139 : vector<128x128xi1>, vector<128x128xf32>
    %reduce_max3A_165 = arith.constant dense<0xFF800000> : vector<128xf32>
    %reduce_max3A_166 = vector.multi_reduction <maximumf>, %select_n3A_164, %reduce_max3A_165 [1] : vector<128x128xf32> to vector<128xf32>
    %broadcast_in_dim3A_167 = vector.shape_cast %reduce_max3A_166 : vector<128xf32> to vector<128x1xf32>
    %eq3A_168 = vector.broadcast %broadcast_in_dim3A_167 : vector<128x1xf32> to vector<128x128xf32>
    %eq3A_169 = arith.cmpf oeq, %select_n3A_164, %eq3A_168 : vector<128x128xf32>
    %jit3A_170 = arith.constant 1073741824 : i32
    %broadcast_in_dim3A_171 = vector.broadcast %jit3A_170 : i32 to vector<128x128xi32>
    %select_n3A_172 = arith.select %eq3A_169, %get3A_13, %broadcast_in_dim3A_171 : vector<128x128xi1>, vector<128x128xi32>
    %reduce_min3A_173 = arith.constant dense<2147483647> : vector<128xi32>
    %reduce_min3A_174 = vector.multi_reduction <minsi>, %select_n3A_172, %reduce_min3A_173 [1] : vector<128x128xi32> to vector<128xi32>
    %broadcast_in_dim3A_175 = vector.shape_cast %reduce_min3A_174 : vector<128xi32> to vector<128x1xi32>
    %eq3A_176 = arith.constant 6 : i32
    %eq3A_177 = vector.broadcast %eq3A_176 : i32 to vector<128x128xi32>
    %eq3A_178 = arith.cmpi eq, %iota3A, %eq3A_177 : vector<128x128xi32>
    %broadcast_in_dim3A_179 = vector.shape_cast %broadcast_in_dim3A_175 : vector<128x1xi32> to vector<128x1xi32>
    %broadcast_in_dim3A_180 = vector.broadcast %broadcast_in_dim3A_179 : vector<128x1xi32> to vector<128x128xi32>
    %select_n3A_181 = arith.select %eq3A_178, %broadcast_in_dim3A_180, %select_n3A_156 : vector<128x128xi1>, vector<128x128xi32>
    %gt3A_182 = arith.constant -1.000000e+29 : f32
    %gt3A_183 = vector.broadcast %gt3A_182 : f32 to vector<128x1xf32>
    %gt3A_184 = arith.cmpf ogt, %broadcast_in_dim3A_167, %gt3A_183 : vector<128x1xf32>
    %convert_element_type3A_185 = arith.extui %gt3A_184 : vector<128x1xi1> to vector<128x1xi32>
    %add3A_186 = arith.addi %add3A_161, %convert_element_type3A_185 : vector<128x1xi32>
    %jit3A_187 = arith.constant 0xFF800000 : f32
    %broadcast_in_dim3A_188 = vector.broadcast %jit3A_187 : f32 to vector<128x128xf32>
    %select_n3A_189 = arith.select %eq3A_169, %broadcast_in_dim3A_188, %select_n3A_164 : vector<128x128xi1>, vector<128x128xf32>
    %reduce_max3A_190 = arith.constant dense<0xFF800000> : vector<128xf32>
    %reduce_max3A_191 = vector.multi_reduction <maximumf>, %select_n3A_189, %reduce_max3A_190 [1] : vector<128x128xf32> to vector<128xf32>
    %broadcast_in_dim3A_192 = vector.shape_cast %reduce_max3A_191 : vector<128xf32> to vector<128x1xf32>
    %eq3A_193 = vector.broadcast %broadcast_in_dim3A_192 : vector<128x1xf32> to vector<128x128xf32>
    %eq3A_194 = arith.cmpf oeq, %select_n3A_189, %eq3A_193 : vector<128x128xf32>
    %jit3A_195 = arith.constant 1073741824 : i32
    %broadcast_in_dim3A_196 = vector.broadcast %jit3A_195 : i32 to vector<128x128xi32>
    %select_n3A_197 = arith.select %eq3A_194, %get3A_13, %broadcast_in_dim3A_196 : vector<128x128xi1>, vector<128x128xi32>
    %reduce_min3A_198 = arith.constant dense<2147483647> : vector<128xi32>
    %reduce_min3A_199 = vector.multi_reduction <minsi>, %select_n3A_197, %reduce_min3A_198 [1] : vector<128x128xi32> to vector<128xi32>
    %broadcast_in_dim3A_200 = vector.shape_cast %reduce_min3A_199 : vector<128xi32> to vector<128x1xi32>
    %eq3A_201 = arith.constant 7 : i32
    %eq3A_202 = vector.broadcast %eq3A_201 : i32 to vector<128x128xi32>
    %eq3A_203 = arith.cmpi eq, %iota3A, %eq3A_202 : vector<128x128xi32>
    %broadcast_in_dim3A_204 = vector.shape_cast %broadcast_in_dim3A_200 : vector<128x1xi32> to vector<128x1xi32>
    %broadcast_in_dim3A_205 = vector.broadcast %broadcast_in_dim3A_204 : vector<128x1xi32> to vector<128x128xi32>
    %select_n3A_206 = arith.select %eq3A_203, %broadcast_in_dim3A_205, %select_n3A_181 : vector<128x128xi1>, vector<128x128xi32>
    %gt3A_207 = arith.constant -1.000000e+29 : f32
    %gt3A_208 = vector.broadcast %gt3A_207 : f32 to vector<128x1xf32>
    %gt3A_209 = arith.cmpf ogt, %broadcast_in_dim3A_192, %gt3A_208 : vector<128x1xf32>
    %convert_element_type3A_210 = arith.extui %gt3A_209 : vector<128x1xi1> to vector<128x1xi32>
    %add3A_211 = arith.addi %add3A_186, %convert_element_type3A_210 : vector<128x1xi32>
    %eq3A_212 = arith.constant 8 : i32
    %eq3A_213 = vector.broadcast %eq3A_212 : i32 to vector<128x128xi32>
    %eq3A_214 = arith.cmpi eq, %iota3A, %eq3A_213 : vector<128x128xi32>
    %broadcast_in_dim3A_215 = vector.shape_cast %add3A_211 : vector<128x1xi32> to vector<128x1xi32>
    %broadcast_in_dim3A_216 = vector.broadcast %broadcast_in_dim3A_215 : vector<128x1xi32> to vector<128x128xi32>
    %select_n3A_217 = arith.select %eq3A_214, %broadcast_in_dim3A_216, %select_n3A_206 : vector<128x128xi1>, vector<128x128xi32>
    %swap3A = arith.constant 0 : index
    %swap3A_218 = arith.constant 0 : index
    %swap3A_219 = vector.load %arg4[%swap3A, %swap3A_218] : memref<128x128xi32, #tpu.memory_space<vmem>>, vector<128x128xi32>
    tpu.vector_store %arg4[%swap3A, %swap3A_218], %select_n3A_217 {strides = array<i32>} : memref<128x128xi32, #tpu.memory_space<vmem>>, vector<128x128xi32>,
    return
  }
  func.func @transform_0(%arg0: i32) -> (i32, i32) {
    %c0_i32 = arith.constant 0 : i32
    %c0_i32_0 = arith.constant 0 : i32
    return %arg0, %c0_i32 : i32, i32
  }
  func.func @transform_1(%arg0: i32) -> (i32, i32) {
    %c0_i32 = arith.constant 0 : i32
    %c0_i32_0 = arith.constant 0 : i32
    return %arg0, %c0_i32 : i32, i32
  }
  func.func @transform_2(%arg0: i32) -> (i32, i32) {
    %c0_i32 = arith.constant 0 : i32
    %c0_i32_0 = arith.constant 0 : i32
    return %arg0, %c0_i32 : i32, i32
  }
  func.func @transform_3(%arg0: i32) -> (i32, i32) {
    %c0_i32 = arith.constant 0 : i32
    %c0_i32_0 = arith.constant 0 : i32
    return %arg0, %c0_i32 : i32, i32
  }
}

module attributes {stable_mosaic.version = 14 : i64} {
  func.func @_k6_body(%arg0: memref<1024x128xf32, #tpu.memory_space<vmem>>, %arg1: memref<1024x8xf32, #tpu.memory_space<vmem>>, %arg2: memref<1024x8xf32, #tpu.memory_space<vmem>>, %arg3: memref<128x256xf32, #tpu.memory_space<vmem>>, %arg4: memref<8x256xf32, #tpu.memory_space<vmem>>, %arg5: memref<1x256xf32, #tpu.memory_space<vmem>>, %arg6: memref<256x128xf32, #tpu.memory_space<vmem>>, %arg7: memref<1x128xf32, #tpu.memory_space<vmem>>, %arg8: memref<128x256xf32, #tpu.memory_space<vmem>>, %arg9: memref<1x256xf32, #tpu.memory_space<vmem>>, %arg10: memref<256x128xf32, #tpu.memory_space<vmem>>, %arg11: memref<1x128xf32, #tpu.memory_space<vmem>>, %arg12: memref<1x128xf32, #tpu.memory_space<vmem>>, %arg13: memref<1024x128xf32, #tpu.memory_space<vmem>>, %arg14: memref<1024x128xf32, #tpu.memory_space<vmem>>, %arg15: memref<1024x8x128xf32, #tpu.memory_space<vmem>>, %arg16: memref<1024x128xi32, #tpu.memory_space<vmem>>, %arg17: memref<1024x128xf32, #tpu.memory_space<vmem>>, %arg18: memref<1024x128xf32, #tpu.memory_space<vmem>>, %arg19: memref<1x128xf32, #tpu.memory_space<vmem>>) attributes {dimension_semantics = [], scalar_prefetch = 0 : i64, scratch_operands = 0 : i64, tpu.core_type = #tpu.core_type<tc>} {
    %get3A = arith.constant 0 : index
    %get3A_0 = arith.constant 0 : index
    %get3A_1 = vector.load %arg3[%get3A, %get3A_0] : memref<128x256xf32, #tpu.memory_space<vmem>>, vector<128x256xf32>
    %get3A_2 = arith.constant 0 : index
    %get3A_3 = arith.constant 0 : index
    %get3A_4 = vector.load %arg4[%get3A_2, %get3A_3] : memref<8x256xf32, #tpu.memory_space<vmem>>, vector<8x256xf32>
    %get3A_5 = arith.constant 0 : index
    %get3A_6 = arith.constant 0 : index
    %get3A_7 = vector.load %arg5[%get3A_5, %get3A_6] : memref<1x256xf32, #tpu.memory_space<vmem>>, vector<1x256xf32>
    %get3A_8 = arith.constant 0 : index
    %get3A_9 = arith.constant 0 : index
    %get3A_10 = vector.load %arg6[%get3A_8, %get3A_9] : memref<256x128xf32, #tpu.memory_space<vmem>>, vector<256x128xf32>
    %get3A_11 = arith.constant 0 : index
    %get3A_12 = arith.constant 0 : index
    %get3A_13 = vector.load %arg7[%get3A_11, %get3A_12] : memref<1x128xf32, #tpu.memory_space<vmem>>, vector<1x128xf32>
    %get3A_14 = arith.constant 0 : index
    %get3A_15 = arith.constant 0 : index
    %get3A_16 = vector.load %arg8[%get3A_14, %get3A_15] : memref<128x256xf32, #tpu.memory_space<vmem>>, vector<128x256xf32>
    %get3A_17 = arith.constant 0 : index
    %get3A_18 = arith.constant 0 : index
    %get3A_19 = vector.load %arg9[%get3A_17, %get3A_18] : memref<1x256xf32, #tpu.memory_space<vmem>>, vector<1x256xf32>
    %get3A_20 = arith.constant 0 : index
    %get3A_21 = arith.constant 0 : index
    %get3A_22 = vector.load %arg10[%get3A_20, %get3A_21] : memref<256x128xf32, #tpu.memory_space<vmem>>, vector<256x128xf32>
    %get3A_23 = arith.constant 0 : index
    %get3A_24 = arith.constant 0 : index
    %get3A_25 = vector.load %arg11[%get3A_23, %get3A_24] : memref<1x128xf32, #tpu.memory_space<vmem>>, vector<1x128xf32>
    %get3A_26 = arith.constant 0 : index
    %get3A_27 = arith.constant 0 : index
    %get3A_28 = vector.load %arg12[%get3A_26, %get3A_27] : memref<1x128xf32, #tpu.memory_space<vmem>>, vector<1x128xf32>
    %get3A_29 = arith.constant 0 : index
    %get3A_30 = arith.constant 0 : index
    %get3A_31 = vector.load %arg0[%get3A_29, %get3A_30] : memref<1024x128xf32, #tpu.memory_space<vmem>>, vector<1024x128xf32>
    %get3A_32 = arith.constant 0 : index
    %get3A_33 = arith.constant 0 : index
    %get3A_34 = vector.load %arg1[%get3A_32, %get3A_33] : memref<1024x8xf32, #tpu.memory_space<vmem>>, vector<1024x8xf32>
    %get3A_35 = arith.constant 0 : index
    %get3A_36 = arith.constant 0 : index
    %get3A_37 = vector.load %arg2[%get3A_35, %get3A_36] : memref<1024x8xf32, #tpu.memory_space<vmem>>, vector<1024x8xf32>
    %get3A_38 = arith.constant 0 : index
    %get3A_39 = arith.constant 0 : index
    %get3A_40 = vector.load %arg13[%get3A_38, %get3A_39] : memref<1024x128xf32, #tpu.memory_space<vmem>>, vector<1024x128xf32>
    %get3A_41 = arith.constant 0 : index
    %get3A_42 = arith.constant 0 : index
    %get3A_43 = vector.load %arg14[%get3A_41, %get3A_42] : memref<1024x128xf32, #tpu.memory_space<vmem>>, vector<1024x128xf32>
    %dot_general3A = arith.constant dense<0.000000e+00> : vector<1024x256xf32>
    %dot_general3A_44 = tpu.matmul %get3A_31, %get3A_1, %dot_general3A {dimension_numbers = #tpu.dot_dimension_numbers<[1], [0], [0], [1], [0, 0, 1, 1], [], []>, transpose_lhs_hint = false} : vector<1024x128xf32>, vector<128x256xf32>, vector<1024x256xf32> -> vector<1024x256xf32>
    %dot_general3A_45 = arith.constant dense<0.000000e+00> : vector<1024x256xf32>
    %dot_general3A_46 = tpu.matmul %get3A_34, %get3A_4, %dot_general3A_45 {dimension_numbers = #tpu.dot_dimension_numbers<[1], [0], [0], [1], [0, 0, 1, 1], [], []>, transpose_lhs_hint = false} : vector<1024x8xf32>, vector<8x256xf32>, vector<1024x256xf32> -> vector<1024x256xf32>
    %add3A = arith.addf %dot_general3A_44, %dot_general3A_46 : vector<1024x256xf32>
    %add3A_47 = vector.broadcast %get3A_7 : vector<1x256xf32> to vector<1024x256xf32>
    %add3A_48 = arith.addf %add3A, %add3A_47 : vector<1024x256xf32>
    %max3A = arith.constant 0.000000e+00 : f32
    %max3A_49 = vector.broadcast %max3A : f32 to vector<1024x256xf32>
    %max3A_50 = arith.maximumf %add3A_48, %max3A_49 : vector<1024x256xf32>
    %dot_general3A_51 = arith.constant dense<0.000000e+00> : vector<1024x128xf32>
    %dot_general3A_52 = tpu.matmul %max3A_50, %get3A_10, %dot_general3A_51 {dimension_numbers = #tpu.dot_dimension_numbers<[1], [0], [0], [1], [0, 0, 1, 1], [], []>, transpose_lhs_hint = false} : vector<1024x256xf32>, vector<256x128xf32>, vector<1024x128xf32> -> vector<1024x128xf32>
    %add3A_53 = vector.broadcast %get3A_13 : vector<1x128xf32> to vector<1024x128xf32>
    %add3A_54 = arith.addf %dot_general3A_52, %add3A_53 : vector<1024x128xf32>
    %dot_general3A_55 = arith.constant dense<0.000000e+00> : vector<1024x256xf32>
    %dot_general3A_56 = tpu.matmul %add3A_54, %get3A_16, %dot_general3A_55 {dimension_numbers = #tpu.dot_dimension_numbers<[1], [0], [0], [1], [0, 0, 1, 1], [], []>, transpose_lhs_hint = false} : vector<1024x128xf32>, vector<128x256xf32>, vector<1024x256xf32> -> vector<1024x256xf32>
    %add3A_57 = vector.broadcast %get3A_19 : vector<1x256xf32> to vector<1024x256xf32>
    %add3A_58 = arith.addf %dot_general3A_56, %add3A_57 : vector<1024x256xf32>
    %max3A_59 = arith.constant 0.000000e+00 : f32
    %max3A_60 = vector.broadcast %max3A_59 : f32 to vector<1024x256xf32>
    %max3A_61 = arith.maximumf %add3A_58, %max3A_60 : vector<1024x256xf32>
    %dot_general3A_62 = arith.constant dense<0.000000e+00> : vector<1024x128xf32>
    %dot_general3A_63 = tpu.matmul %max3A_61, %get3A_22, %dot_general3A_62 {dimension_numbers = #tpu.dot_dimension_numbers<[1], [0], [0], [1], [0, 0, 1, 1], [], []>, transpose_lhs_hint = false} : vector<1024x256xf32>, vector<256x128xf32>, vector<1024x128xf32> -> vector<1024x128xf32>
    %add3A_64 = vector.broadcast %get3A_25 : vector<1x128xf32> to vector<1024x128xf32>
    %add3A_65 = arith.addf %dot_general3A_63, %add3A_64 : vector<1024x128xf32>
    %exp3A = math.exp %add3A_65 : vector<1024x128xf32>
    %exp3A_66 = math.exp %get3A_28 : vector<1x128xf32>
    %mul3A = vector.broadcast %exp3A_66 : vector<1x128xf32> to vector<1024x128xf32>
    %mul3A_67 = arith.mulf %mul3A, %exp3A : vector<1024x128xf32>
    %add3A_68 = arith.constant 9.99999997E-7 : f32
    %add3A_69 = vector.broadcast %add3A_68 : f32 to vector<1024x128xf32>
    %add3A_70 = arith.addf %mul3A_67, %add3A_69 : vector<1024x128xf32>
    %mul3A_71 = arith.mulf %get3A_40, %add3A_70 : vector<1024x128xf32>
    %add3A_72 = arith.addf %add3A_54, %mul3A_71 : vector<1024x128xf32>
    %swap3A = arith.constant 0 : index
    %swap3A_73 = arith.constant 0 : index
    %swap3A_74 = vector.load %arg17[%swap3A, %swap3A_73] : memref<1024x128xf32, #tpu.memory_space<vmem>>, vector<1024x128xf32>
    tpu.vector_store %arg17[%swap3A, %swap3A_73], %add3A_72 {strides = array<i32>} : memref<1024x128xf32, #tpu.memory_space<vmem>>, vector<1024x128xf32>,
    %sub3A = arith.subf %add3A_72, %add3A_54 : vector<1024x128xf32>
    %div3A = arith.divf %sub3A, %add3A_70 : vector<1024x128xf32>
    %integer_pow3A = arith.mulf %div3A, %div3A : vector<1024x128xf32>
    %reduce_sum3A = arith.constant dense<0.000000e+00> : vector<1024xf32>
    %reduce_sum3A_75 = vector.multi_reduction <add>, %integer_pow3A, %reduce_sum3A [1] : vector<1024x128xf32> to vector<1024xf32>
    %broadcast_in_dim3A = vector.shape_cast %reduce_sum3A_75 : vector<1024xf32> to vector<1024x1xf32>
    %reduce_sum3A_76 = vector.shape_cast %broadcast_in_dim3A : vector<1024x1xf32> to vector<1x1024x1xf32>
    %reduce_sum3A_77 = arith.constant dense<0.000000e+00> : vector<1xf32>
    %reduce_sum3A_78 = vector.multi_reduction <add>, %reduce_sum3A_76, %reduce_sum3A_77 [1, 2] : vector<1x1024x1xf32> to vector<1xf32>
    %reduce_sum3A_79 = vector.shape_cast %reduce_sum3A_78 : vector<1xf32> to vector<1x1x1xf32>
    %reduce_sum3A_80 = vector.extract %reduce_sum3A_79[0, 0, 0] : f32 from vector<1x1x1xf32>
    %div3A_81 = arith.constant 1.024000e+03 : f32
    %div3A_82 = arith.divf %reduce_sum3A_80, %div3A_81 : f32
    %mul3A_83 = arith.constant -5.000000e-01 : f32
    %mul3A_84 = arith.mulf %mul3A_83, %div3A_82 : f32
    %log3A = math.log %add3A_70 : vector<1024x128xf32>
    %reduce_sum3A_85 = arith.constant dense<0.000000e+00> : vector<1024xf32>
    %reduce_sum3A_86 = vector.multi_reduction <add>, %log3A, %reduce_sum3A_85 [1] : vector<1024x128xf32> to vector<1024xf32>
    %broadcast_in_dim3A_87 = vector.shape_cast %reduce_sum3A_86 : vector<1024xf32> to vector<1024x1xf32>
    %reduce_sum3A_88 = vector.shape_cast %broadcast_in_dim3A_87 : vector<1024x1xf32> to vector<1x1024x1xf32>
    %reduce_sum3A_89 = arith.constant dense<0.000000e+00> : vector<1xf32>
    %reduce_sum3A_90 = vector.multi_reduction <add>, %reduce_sum3A_88, %reduce_sum3A_89 [1, 2] : vector<1x1024x1xf32> to vector<1xf32>
    %reduce_sum3A_91 = vector.shape_cast %reduce_sum3A_90 : vector<1xf32> to vector<1x1x1xf32>
    %reduce_sum3A_92 = vector.extract %reduce_sum3A_91[0, 0, 0] : f32 from vector<1x1x1xf32>
    %div3A_93 = arith.constant 1.024000e+03 : f32
    %div3A_94 = arith.divf %reduce_sum3A_92, %div3A_93 : f32
    %sub3A_95 = arith.subf %mul3A_84, %div3A_94 : f32
    %dot_general3A_96 = arith.constant dense<0.000000e+00> : vector<1024x256xf32>
    %dot_general3A_97 = tpu.matmul %add3A_72, %get3A_1, %dot_general3A_96 {dimension_numbers = #tpu.dot_dimension_numbers<[1], [0], [0], [1], [0, 0, 1, 1], [], []>, transpose_lhs_hint = false} : vector<1024x128xf32>, vector<128x256xf32>, vector<1024x256xf32> -> vector<1024x256xf32>
    %dot_general3A_98 = arith.constant dense<0.000000e+00> : vector<1024x256xf32>
    %dot_general3A_99 = tpu.matmul %get3A_37, %get3A_4, %dot_general3A_98 {dimension_numbers = #tpu.dot_dimension_numbers<[1], [0], [0], [1], [0, 0, 1, 1], [], []>, transpose_lhs_hint = false} : vector<1024x8xf32>, vector<8x256xf32>, vector<1024x256xf32> -> vector<1024x256xf32>
    %add3A_100 = arith.addf %dot_general3A_97, %dot_general3A_99 : vector<1024x256xf32>
    %add3A_101 = vector.broadcast %get3A_7 : vector<1x256xf32> to vector<1024x256xf32>
    %add3A_102 = arith.addf %add3A_100, %add3A_101 : vector<1024x256xf32>
    %max3A_103 = arith.constant 0.000000e+00 : f32
    %max3A_104 = vector.broadcast %max3A_103 : f32 to vector<1024x256xf32>
    %max3A_105 = arith.maximumf %add3A_102, %max3A_104 : vector<1024x256xf32>
    %dot_general3A_106 = arith.constant dense<0.000000e+00> : vector<1024x128xf32>
    %dot_general3A_107 = tpu.matmul %max3A_105, %get3A_10, %dot_general3A_106 {dimension_numbers = #tpu.dot_dimension_numbers<[1], [0], [0], [1], [0, 0, 1, 1], [], []>, transpose_lhs_hint = false} : vector<1024x256xf32>, vector<256x128xf32>, vector<1024x128xf32> -> vector<1024x128xf32>
    %add3A_108 = vector.broadcast %get3A_13 : vector<1x128xf32> to vector<1024x128xf32>
    %add3A_109 = arith.addf %dot_general3A_107, %add3A_108 : vector<1024x128xf32>
    %dot_general3A_110 = arith.constant dense<0.000000e+00> : vector<1024x256xf32>
    %dot_general3A_111 = tpu.matmul %add3A_109, %get3A_16, %dot_general3A_110 {dimension_numbers = #tpu.dot_dimension_numbers<[1], [0], [0], [1], [0, 0, 1, 1], [], []>, transpose_lhs_hint = false} : vector<1024x128xf32>, vector<128x256xf32>, vector<1024x256xf32> -> vector<1024x256xf32>
    %add3A_112 = vector.broadcast %get3A_19 : vector<1x256xf32> to vector<1024x256xf32>
    %add3A_113 = arith.addf %dot_general3A_111, %add3A_112 : vector<1024x256xf32>
    %max3A_114 = arith.constant 0.000000e+00 : f32
    %max3A_115 = vector.broadcast %max3A_114 : f32 to vector<1024x256xf32>
    %max3A_116 = arith.maximumf %add3A_113, %max3A_115 : vector<1024x256xf32>
    %dot_general3A_117 = arith.constant dense<0.000000e+00> : vector<1024x128xf32>
    %dot_general3A_118 = tpu.matmul %max3A_116, %get3A_22, %dot_general3A_117 {dimension_numbers = #tpu.dot_dimension_numbers<[1], [0], [0], [1], [0, 0, 1, 1], [], []>, transpose_lhs_hint = false} : vector<1024x256xf32>, vector<256x128xf32>, vector<1024x128xf32> -> vector<1024x128xf32>
    %add3A_119 = vector.broadcast %get3A_25 : vector<1x128xf32> to vector<1024x128xf32>
    %add3A_120 = arith.addf %dot_general3A_118, %add3A_119 : vector<1024x128xf32>
    %exp3A_121 = math.exp %add3A_120 : vector<1024x128xf32>
    %exp3A_122 = math.exp %get3A_28 : vector<1x128xf32>
    %mul3A_123 = vector.broadcast %exp3A_122 : vector<1x128xf32> to vector<1024x128xf32>
    %mul3A_124 = arith.mulf %mul3A_123, %exp3A_121 : vector<1024x128xf32>
    %add3A_125 = arith.constant 9.99999997E-7 : f32
    %add3A_126 = vector.broadcast %add3A_125 : f32 to vector<1024x128xf32>
    %add3A_127 = arith.addf %mul3A_124, %add3A_126 : vector<1024x128xf32>
    %get3A_128 = arith.constant 0 : index
    %get3A_129 = arith.constant 0 : index
    %get3A_130 = vector.load %arg16[%get3A_128, %get3A_129] : memref<1024x128xi32, #tpu.memory_space<vmem>>, vector<1024x128xi32>
    %slice3A = vector.extract_strided_slice %get3A_130 {offsets = [0, 8], sizes = [1024, 1], strides = [1, 1]} : vector<1024x128xi32> to vector<1024x1xi32>
    %eq3A = arith.constant 0 : i32
    %eq3A_131 = vector.broadcast %eq3A : i32 to vector<1024x1xi32>
    %eq3A_132 = arith.cmpi eq, %slice3A, %eq3A_131 : vector<1024x1xi32>
    %get3A_133 = arith.constant 0 : index
    %get3A_134 = arith.constant 0 : index
    %get3A_135 = arith.constant 0 : index
    %get3A_136 = vector.load %arg15[%get3A_133, %get3A_134, %get3A_135] : memref<1024x8x128xf32, #tpu.memory_space<vmem>>, vector<1024x8x128xf32>
    %mul3A_137 = arith.mulf %add3A_109, %add3A_109 : vector<1024x128xf32>
    %reduce_sum3A_138 = arith.constant dense<0.000000e+00> : vector<1024xf32>
    %reduce_sum3A_139 = vector.multi_reduction <add>, %mul3A_137, %reduce_sum3A_138 [1] : vector<1024x128xf32> to vector<1024xf32>
    %broadcast_in_dim3A_140 = vector.shape_cast %reduce_sum3A_139 : vector<1024xf32> to vector<1024x1xf32>
    %sqrt3A = math.sqrt %broadcast_in_dim3A_140 : vector<1024x1xf32>
    %add3A_141 = arith.constant 9.99999993E-9 : f32
    %add3A_142 = vector.broadcast %add3A_141 : f32 to vector<1024x1xf32>
    %add3A_143 = arith.addf %sqrt3A, %add3A_142 : vector<1024x1xf32>
    %div3A_144 = vector.broadcast %add3A_143 : vector<1024x1xf32> to vector<1024x128xf32>
    %div3A_145 = arith.divf %add3A_109, %div3A_144 : vector<1024x128xf32>
    %mul3A_146 = arith.mulf %get3A_136, %get3A_136 : vector<1024x8x128xf32>
    %reduce_sum3A_147 = arith.constant dense<0.000000e+00> : vector<1024x8xf32>
    %reduce_sum3A_148 = vector.multi_reduction <add>, %mul3A_146, %reduce_sum3A_147 [2] : vector<1024x8x128xf32> to vector<1024x8xf32>
    %broadcast_in_dim3A_149 = vector.shape_cast %reduce_sum3A_148 : vector<1024x8xf32> to vector<1024x8x1xf32>
    %sqrt3A_150 = math.sqrt %broadcast_in_dim3A_149 : vector<1024x8x1xf32>
    %add3A_151 = arith.constant 9.99999993E-9 : f32
    %add3A_152 = vector.broadcast %add3A_151 : f32 to vector<1024x8x1xf32>
    %add3A_153 = arith.addf %sqrt3A_150, %add3A_152 : vector<1024x8x1xf32>
    %div3A_154 = vector.broadcast %add3A_153 : vector<1024x8x1xf32> to vector<1024x8x128xf32>
    %div3A_155 = arith.divf %get3A_136, %div3A_154 : vector<1024x8x128xf32>
    %broadcast_in_dim3A_156 = vector.shape_cast %div3A_145 : vector<1024x128xf32> to vector<1024x1x128xf32>
    %mul3A_157 = vector.broadcast %broadcast_in_dim3A_156 : vector<1024x1x128xf32> to vector<1024x8x128xf32>
    %mul3A_158 = arith.mulf %div3A_155, %mul3A_157 : vector<1024x8x128xf32>
    %reduce_sum3A_159 = arith.constant dense<0.000000e+00> : vector<1024x8xf32>
    %reduce_sum3A_160 = vector.multi_reduction <add>, %mul3A_158, %reduce_sum3A_159 [2] : vector<1024x8x128xf32> to vector<1024x8xf32>
    %iota3A = tpu.iota {dimensions = array<i32: 1>} : vector<1024x8xi32>
    %ge3A = vector.broadcast %slice3A : vector<1024x1xi32> to vector<1024x8xi32>
    %ge3A_161 = arith.cmpi sge, %iota3A, %ge3A : vector<1024x8xi32>
    %jit3A = arith.constant 0xFF800000 : f32
    %broadcast_in_dim3A_162 = vector.broadcast %jit3A : f32 to vector<1024x8xf32>
    %select_n3A = arith.select %ge3A_161, %broadcast_in_dim3A_162, %reduce_sum3A_160 : vector<1024x8xi1>, vector<1024x8xf32>
    %reduce_max3A = arith.constant dense<0xFF800000> : vector<1024xf32>
    %reduce_max3A_163 = vector.multi_reduction <maximumf>, %select_n3A, %reduce_max3A [1] : vector<1024x8xf32> to vector<1024xf32>
    %broadcast_in_dim3A_164 = vector.shape_cast %reduce_max3A_163 : vector<1024xf32> to vector<1024x1xf32>
    %sub3A_165 = vector.broadcast %broadcast_in_dim3A_164 : vector<1024x1xf32> to vector<1024x8xf32>
    %sub3A_166 = arith.subf %select_n3A, %sub3A_165 : vector<1024x8xf32>
    %exp3A_167 = math.exp %sub3A_166 : vector<1024x8xf32>
    %reduce_sum3A_168 = arith.constant dense<0.000000e+00> : vector<1024xf32>
    %reduce_sum3A_169 = vector.multi_reduction <add>, %exp3A_167, %reduce_sum3A_168 [1] : vector<1024x8xf32> to vector<1024xf32>
    %broadcast_in_dim3A_170 = vector.shape_cast %reduce_sum3A_169 : vector<1024xf32> to vector<1024x1xf32>
    %div3A_171 = vector.broadcast %broadcast_in_dim3A_170 : vector<1024x1xf32> to vector<1024x8xf32>
    %div3A_172 = arith.divf %exp3A_167, %div3A_171 : vector<1024x8xf32>
    %broadcast_in_dim3A_173 = vector.shape_cast %div3A_172 : vector<1024x8xf32> to vector<1024x8x1xf32>
    %mul3A_174 = vector.broadcast %broadcast_in_dim3A_173 : vector<1024x8x1xf32> to vector<1024x8x128xf32>
    %mul3A_175 = arith.mulf %mul3A_174, %get3A_136 : vector<1024x8x128xf32>
    %reduce_sum3A_176 = arith.constant dense<0.000000e+00> : vector<1024x128xf32>
    %reduce_sum3A_177 = vector.multi_reduction <add>, %mul3A_175, %reduce_sum3A_176 [1] : vector<1024x8x128xf32> to vector<1024x128xf32>
    %sub3A_178 = arith.subf %reduce_sum3A_177, %add3A_109 : vector<1024x128xf32>
    %div3A_179 = arith.divf %sub3A_178, %add3A_127 : vector<1024x128xf32>
    %mul3A_180 = arith.constant -5.000000e-01 : f32
    %mul3A_181 = vector.broadcast %mul3A_180 : f32 to vector<1024x128xf32>
    %mul3A_182 = arith.mulf %mul3A_181, %div3A_179 : vector<1024x128xf32>
    %mul3A_183 = arith.mulf %mul3A_182, %mul3A_182 : vector<1024x128xf32>
    %reduce_sum3A_184 = arith.constant dense<0.000000e+00> : vector<1024xf32>
    %reduce_sum3A_185 = vector.multi_reduction <add>, %mul3A_183, %reduce_sum3A_184 [1] : vector<1024x128xf32> to vector<1024xf32>
    %broadcast_in_dim3A_186 = vector.shape_cast %reduce_sum3A_185 : vector<1024xf32> to vector<1024x1xf32>
    %sqrt3A_187 = math.sqrt %broadcast_in_dim3A_186 : vector<1024x1xf32>
    %gt3A = arith.constant 2.000000e+00 : f32
    %gt3A_188 = vector.broadcast %gt3A : f32 to vector<1024x1xf32>
    %gt3A_189 = arith.cmpf ogt, %sqrt3A_187, %gt3A_188 : vector<1024x1xf32>
    %mul3A_190 = arith.mulf %get3A_43, %add3A_127 : vector<1024x128xf32>
    %add3A_191 = arith.addf %add3A_109, %mul3A_190 : vector<1024x128xf32>
    %or3A = arith.ori %gt3A_189, %eq3A_132 : vector<1024x1xi1>
    %ne3A = arith.cmpf one, %reduce_sum3A_177, %reduce_sum3A_177 : vector<1024x128xf32>
    %or3A_192 = vector.broadcast %or3A : vector<1024x1xi1> to vector<1024x128xi1>
    %or3A_193 = arith.ori %or3A_192, %ne3A : vector<1024x128xi1>
    %select_n3A_194 = arith.select %or3A_193, %add3A_191, %reduce_sum3A_177 : vector<1024x128xi1>, vector<1024x128xf32>
    %swap3A_195 = arith.constant 0 : index
    %swap3A_196 = arith.constant 0 : index
    %swap3A_197 = vector.load %arg18[%swap3A_195, %swap3A_196] : memref<1024x128xf32, #tpu.memory_space<vmem>>, vector<1024x128xf32>
    tpu.vector_store %arg18[%swap3A_195, %swap3A_196], %select_n3A_194 {strides = array<i32>} : memref<1024x128xf32, #tpu.memory_space<vmem>>, vector<1024x128xf32>,
    %sub3A_198 = arith.subf %select_n3A_194, %add3A_109 : vector<1024x128xf32>
    %div3A_199 = arith.divf %sub3A_198, %add3A_127 : vector<1024x128xf32>
    %integer_pow3A_200 = arith.mulf %div3A_199, %div3A_199 : vector<1024x128xf32>
    %reduce_sum3A_201 = arith.constant dense<0.000000e+00> : vector<1024xf32>
    %reduce_sum3A_202 = vector.multi_reduction <add>, %integer_pow3A_200, %reduce_sum3A_201 [1] : vector<1024x128xf32> to vector<1024xf32>
    %broadcast_in_dim3A_203 = vector.shape_cast %reduce_sum3A_202 : vector<1024xf32> to vector<1024x1xf32>
    %reduce_sum3A_204 = vector.shape_cast %broadcast_in_dim3A_203 : vector<1024x1xf32> to vector<1x1024x1xf32>
    %reduce_sum3A_205 = arith.constant dense<0.000000e+00> : vector<1xf32>
    %reduce_sum3A_206 = vector.multi_reduction <add>, %reduce_sum3A_204, %reduce_sum3A_205 [1, 2] : vector<1x1024x1xf32> to vector<1xf32>
    %reduce_sum3A_207 = vector.shape_cast %reduce_sum3A_206 : vector<1xf32> to vector<1x1x1xf32>
    %reduce_sum3A_208 = vector.extract %reduce_sum3A_207[0, 0, 0] : f32 from vector<1x1x1xf32>
    %div3A_209 = arith.constant 1.024000e+03 : f32
    %div3A_210 = arith.divf %reduce_sum3A_208, %div3A_209 : f32
    %mul3A_211 = arith.constant -5.000000e-01 : f32
    %mul3A_212 = arith.mulf %mul3A_211, %div3A_210 : f32
    %log3A_213 = math.log %add3A_127 : vector<1024x128xf32>
    %reduce_sum3A_214 = arith.constant dense<0.000000e+00> : vector<1024xf32>
    %reduce_sum3A_215 = vector.multi_reduction <add>, %log3A_213, %reduce_sum3A_214 [1] : vector<1024x128xf32> to vector<1024xf32>
    %broadcast_in_dim3A_216 = vector.shape_cast %reduce_sum3A_215 : vector<1024xf32> to vector<1024x1xf32>
    %reduce_sum3A_217 = vector.shape_cast %broadcast_in_dim3A_216 : vector<1024x1xf32> to vector<1x1024x1xf32>
    %reduce_sum3A_218 = arith.constant dense<0.000000e+00> : vector<1xf32>
    %reduce_sum3A_219 = vector.multi_reduction <add>, %reduce_sum3A_217, %reduce_sum3A_218 [1, 2] : vector<1x1024x1xf32> to vector<1xf32>
    %reduce_sum3A_220 = vector.shape_cast %reduce_sum3A_219 : vector<1xf32> to vector<1x1x1xf32>
    %reduce_sum3A_221 = vector.extract %reduce_sum3A_220[0, 0, 0] : f32 from vector<1x1x1xf32>
    %div3A_222 = arith.constant 1.024000e+03 : f32
    %div3A_223 = arith.divf %reduce_sum3A_221, %div3A_222 : f32
    %sub3A_224 = arith.subf %mul3A_212, %div3A_223 : f32
    %add3A_225 = arith.addf %sub3A_95, %sub3A_224 : f32
    %broadcast_in_dim3A_226 = vector.broadcast %add3A_225 : f32 to vector<1x128xf32>
    %swap3A_227 = arith.constant 0 : index
    %swap3A_228 = arith.constant 0 : index
    %swap3A_229 = vector.load %arg19[%swap3A_227, %swap3A_228] : memref<1x128xf32, #tpu.memory_space<vmem>>, vector<1x128xf32>
    tpu.vector_store %arg19[%swap3A_227, %swap3A_228], %broadcast_in_dim3A_226 {strides = array<i32>} : memref<1x128xf32, #tpu.memory_space<vmem>>, vector<1x128xf32>,
    return
  }
}

module attributes {stable_mosaic.version = 14 : i64} {
  func.func @_k7_body(%arg0: i32, %arg1: memref<4000x128xf32, #tpu.memory_space<vmem>>, %arg2: memref<1024x128xf32, #tpu.memory_space<vmem>>, %arg3: memref<4000x128xf32, #tpu.memory_space<vmem>>) attributes {dimension_semantics = [#tpu.dimension_semantics<arbitrary>], iteration_bounds = array<i64: 25>, scalar_prefetch = 0 : i64, scratch_operands = 0 : i64, tpu.core_type = #tpu.core_type<tc>, window_params = [{transform_indices = @transform_0, window_bounds = array<i64: 4000, 128>}, {pipeline_mode = #tpu.pipeline_mode<synchronous>, transform_indices = @transform_1, window_bounds = array<i64: 1024, 128>}, {transform_indices = @transform_2, window_bounds = array<i64: 4000, 128>}]} {
    %get3A = arith.constant 0 : index
    %get3A_0 = arith.constant 0 : index
    %get3A_1 = vector.load %arg1[%get3A, %get3A_0] : memref<4000x128xf32, #tpu.memory_space<vmem>>, vector<4000x128xf32>
    %swap3A = arith.constant 0 : index
    %swap3A_2 = arith.constant 0 : index
    %swap3A_3 = vector.load %arg3[%swap3A, %swap3A_2] : memref<4000x128xf32, #tpu.memory_space<vmem>>, vector<4000x128xf32>
    tpu.vector_store %arg3[%swap3A, %swap3A_2], %get3A_1 {strides = array<i32>} : memref<4000x128xf32, #tpu.memory_space<vmem>>, vector<4000x128xf32>,
    %eq3A = arith.constant 0 : i32
    %eq3A_4 = arith.cmpi eq, %arg0, %eq3A : i32
    %convert_element_type3A = arith.extui %eq3A_4 : i1 to i32
    %cond3A = arith.constant 0 : i32
    %cond3A_5 = arith.cmpi ne, %convert_element_type3A, %cond3A : i32
    scf.if %cond3A_5 {
      %get3A_6 = arith.constant 0 : index
      %get3A_7 = arith.constant 0 : index
      %get3A_8 = vector.load %arg2[%get3A_6, %get3A_7] : memref<1024x128xf32, #tpu.memory_space<vmem>>, vector<1024x128xf32>
      %swap3A_9 = arith.constant 0 : index
      %swap3A_10 = arith.constant 0 : index
      %swap3A_11 = vector.load %arg3[%swap3A_9, %swap3A_10] : memref<4000x128xf32, #tpu.memory_space<vmem>>, vector<1024x128xf32>
      tpu.vector_store %arg3[%swap3A_9, %swap3A_10], %get3A_8 {strides = array<i32>} : memref<4000x128xf32, #tpu.memory_space<vmem>>, vector<1024x128xf32>,
    } else {
    }
    return
  }
  func.func @transform_0(%arg0: i32) -> (i32, i32) {
    %c0_i32 = arith.constant 0 : i32
    %c0_i32_0 = arith.constant 0 : i32
    return %arg0, %c0_i32 : i32, i32
  }
  func.func @transform_1(%arg0: i32) -> (i32, i32) {
    %c0_i32 = arith.constant 0 : i32
    %c0_i32_0 = arith.constant 0 : i32
    %c0_i32_1 = arith.constant 0 : i32
    return %c0_i32, %c0_i32_0 : i32, i32
  }
  func.func @transform_2(%arg0: i32) -> (i32, i32) {
    %c0_i32 = arith.constant 0 : i32
    %c0_i32_0 = arith.constant 0 : i32
    return %arg0, %c0_i32 : i32, i32
  }
}

</mosaic_0001>

<sc_bundles>
// kernel: kernel.14.cloned.1.call-start
scs
__scs_entry_jumppad:
0x0: {  	(pc) =	sbr.rel $0x88, $3  }
0x1: {  	(tag) =	ssettag $0x0;
	lr =	simm.s32 $0x1  }
0x2: {  	[smem:$0x3F91] =	sst lr;
	_ =	strace $0xD0000000  }
0x3: {  	_ = 	snop  }
0x4: {  	_ = 	snop  }
0x5: {  	_ = 	snop  }
0x6: {  	_ = 	snop  }
0x7: {  	_ = 	snop  }
__scs_overlays_trampoline_lowered:
0x8: {  	[smem:$0x3FA0] =	sst s0  }
0x9: {  	[smem:$0x3FA1] =	sst s1  }
0xa: {  	[smem:$0x3FA2] =	sst s2  }
0xb: {  	[smem:$0x3FA3] =	sst s3  }
0xc: {  	[smem:$0x3FA4] =	sst s4  }
0xd: {  	[smem:$0x3FA5] =	sst s5  }
0xe: {  	[smem:$0x3FA6] =	sst s6  }
0xf: {  	[smem:$0x3FA7] =	sst s7  }
0x10: {  	[smem:$0x3FA8] =	sst s8  }
0x11: {  	[smem:$0x3FA9] =	sst s9;
	s0 =	simm.s32 @!p0 $0x0  }
0x12: {  	s1 =	sld [smem:$0x3F8F];
	s0 =	simm.s32 @p0 $0x1  }
0x13: {  	[smem:$0x3FAA] =	sst s0;
	s0 =	simm.s32 @!p1 $0x0  }
0x14: {  	s2 =	sld [smem:$0x3F8E];
	s0 =	simm.s32 @p1 $0x1  }
0x15: {  	[smem:$0x3FAB] =	sst s0;
	s0 =	simm.s32 @!p2 $0x0  }
0x16: {  	s3 =	sld [smem:$0x3FDB];
	s0 =	simm.s32 @p2 $0x1  }
0x17: {  	s4 =	simm.s32 $0x1BF5;
	[smem:$0x3FAD] =	sst s0  }
0x18: {  	s0 =	sld [smem:$0x3F90];
	_ =	swait.ge [sflag:s4], $0x0  }
0x19: {  	s7 =	sld [smem:$0x3F91]  }
0x1a: {  	s8 =	sadd.s32 $0xFFFFE003, lr  }
0x1b: {  	s9 =	sadd.s32 $0xFFFFFEF7, lr;
	s5 =	simm.s32 $0xFFFFFFFF;
	p2 =	slt.u32 s8, $0xFFFFF086  }
0x1c: {  	p1 =	slt.u32 s9, $0xF7A;
	s5 =	simm.s32 @!p2 $0x0  }
0x1d: {  	s5 =	simm.s32 @p1 $0x1;
	p0 =	seq.s32 s7, s2  }
0x1e: {  	s7 =	smul.u32 @!p0 $0xF7A, s2;
	p2 =	seq.s32 @!p0 s5, $0x0  }
0x1f: {  	s9 =	smul.u32 $0xF7A, s1;
	s8 =	simm.s32 @!p0 $0x1BF5;
	p2 =	por !p2, p0  }
0x20: {  	[sflag:s8] =	ssyncset.s32 @!p0 $0xFFFFF086;
	s6 =	sadd.s32 @!p0 s3, s7;
	s7 =	simm.s32 @!p0 $0x108  }
0x21: {  	s3 =	sadd.s32 s3, s9;
	s6 =	sadd.s32 @!p0 $0x88, s6;
	s7 =	simm.s32 @p2 $0x1082  }
0x22: {  	[simem:s7], [sflag:s8] =	dma.local @!p0 [hbm:s6], $0xF7A  }
0x23: {  	s9 =	sor.u32 $0xD0000000, s2;
	s6 =	simm.s32 $0x108;
	_ =	swait.ge @!p0 [sflag:s8], $0x0  }
0x24: {  	s3 =	sadd.s32 $0x88, s3;
	s6 =	simm.s32 @!p1 $0x1082;
	[sflag:s4] =	ssyncset.s32 $0xFFFFF086  }
0x25: {  	[simem:s6], [sflag:s4] =	dma.local [hbm:s3], $0xF7A  }
0x26: {  	[smem:$0x3F91] =	sst s1;
	(tag) =	ssettag s2;
	_ =	strace s9  }
0x27: {  	s1 =	sld [smem:$0x3FA1]  }
0x28: {  	s2 =	sld [smem:$0x3FA2]  }
0x29: {  	s4 =	sld [smem:$0x3FA4]  }
0x2a: {  	p0 =	seq.s32 s5, $0x0;
	s5 =	sld [smem:$0x3FA5]  }
0x2b: {  	s6 =	sld [smem:$0x3FA6]  }
0x2c: {  	s7 =	sld [smem:$0x3FA7]  }
0x2d: {  	s3 =	simm.s32 $0x108;
	s8 =	sld [smem:$0x3FA8]  }
0x2e: {  	s3 =	simm.s32 @!p0 $0x1082;
	s9 =	sld [smem:$0x3FA9]  }
0x2f: {  	lr =	sadd.s32 s0, s3;
	s0 =	sld [smem:$0x3FA0]  }
0x30: {  	s3 =	sld [smem:$0x3FA3]  }
0x31: {  	[smem:$0x3FAC] =	sst s10  }
0x32: {  	s10 =	sld [smem:$0x3FAA];
	_ =	sdelay $0x3  }
0x33: {  	p0 =	seq.s32 s10, $0x1;
	s10 =	sld [smem:$0x3FAC];
	_ =	sdelay $0x3  }
0x34: {  	[smem:$0x3FAC] =	sst s10  }
0x35: {  	s10 =	sld [smem:$0x3FAB];
	_ =	sdelay $0x3  }
0x36: {  	p1 =	seq.s32 s10, $0x1;
	s10 =	sld [smem:$0x3FAC];
	_ =	sdelay $0x3  }
0x37: {  	[smem:$0x3FAC] =	sst s10  }
0x38: {  	s10 =	sld [smem:$0x3FAD]  }
0x39: {  	_ = 	snop;
	(pc) =	sbr.ind lr, $3  }
0x3a: {  	_ = 	snop  }
0x3b: {  	_ = 	snop  }
0x3c: {  	p2 =	seq.s32 s10, $0x1;
	s10 =	sld [smem:$0x3FAC]  }
0x3d: {  	_ =	shalt  }
0x3e: {  	_ =	shalt  }
0x3f: {  	_ =	shalt  }
0x40: {  	_ =	shalt  }
0x41: {  	_ =	shalt  }
0x42: {  	_ =	shalt  }
0x43: {  	_ =	shalt  }
0x44: {  	_ =	shalt  }
0x45: {  	_ =	shalt  }
0x46: {  	_ =	shalt  }
0x47: {  	_ =	shalt  }
0x48: {  	_ =	shalt  }
0x49: {  	_ =	shalt  }
0x4a: {  	_ =	shalt  }
0x4b: {  	_ =	shalt  }
0x4c: {  	_ =	shalt  }
0x4d: {  	_ =	shalt  }
0x4e: {  	_ =	shalt  }
0x4f: {  	_ =	shalt  }
0x50: {  	_ =	shalt  }
0x51: {  	_ =	shalt  }
0x52: {  	_ =	shalt  }
0x53: {  	_ =	shalt  }
0x54: {  	_ =	shalt  }
0x55: {  	_ =	shalt  }
0x56: {  	_ =	shalt  }
0x57: {  	_ =	shalt  }
0x58: {  	_ =	shalt  }
0x59: {  	_ =	shalt  }
0x5a: {  	_ =	shalt  }
0x5b: {  	_ =	shalt  }
0x5c: {  	_ =	shalt  }
0x5d: {  	_ =	shalt  }
0x5e: {  	_ =	shalt  }
0x5f: {  	_ =	shalt  }
0x60: {  	_ =	shalt  }
0x61: {  	_ =	shalt  }
0x62: {  	_ =	shalt  }
0x63: {  	_ =	shalt  }
0x64: {  	_ =	shalt  }
0x65: {  	_ =	shalt  }
0x66: {  	_ =	shalt  }
0x67: {  	_ =	shalt  }
0x68: {  	_ =	shalt  }
0x69: {  	_ =	shalt  }
0x6a: {  	_ =	shalt  }
0x6b: {  	_ =	shalt  }
0x6c: {  	_ =	shalt  }
0x6d: {  	_ =	shalt  }
0x6e: {  	_ =	shalt  }
0x6f: {  	_ =	shalt  }
0x70: {  	_ =	shalt  }
0x71: {  	_ =	shalt  }
0x72: {  	_ =	shalt  }
0x73: {  	_ =	shalt  }
0x74: {  	_ =	shalt  }
0x75: {  	_ =	shalt  }
0x76: {  	_ =	shalt  }
0x77: {  	_ =	shalt  }
0x78: {  	_ =	shalt  }
0x79: {  	_ =	shalt  }
0x7a: {  	_ =	shalt  }
0x7b: {  	_ =	shalt  }
0x7c: {  	_ =	shalt  }
0x7d: {  	_ =	shalt  }
0x7e: {  	_ =	shalt  }
0x7f: {  	_ =	shalt  }
0x80: {  	_ =	shalt  }
0x81: {  	_ =	shalt  }
0x82: {  	_ =	shalt  }
0x83: {  	_ =	shalt  }
0x84: {  	_ =	shalt  }
0x85: {  	_ =	shalt  }
0x86: {  	_ =	shalt  }
0x87: {  	_ =	shalt  }
.Lfunc_end0:
.L_simem_size_0:
called_computation.1_lowered:
.L_overlay_start_0:
0x88: {  	s2 =	sld [smem:$0x3FD9]  }
0x89: {  	s3 =	sld [smem:$0x3FFE];
	_ =	sdelay $0x1  }
0x8a: {  	s1 =	srdreg.scid  }
0x8b: {  	s0 =	sand.u32 $0x1, s1  }
0x8c: {  	s15 =	sshll.u32 s0, $0xA;
	s2 =	sadd.s32 s3, s2  }
0x8d: {  	s2 =	sadd.s32 s2, s15  }
0x8e: {  	[smem:$0x3FB8] =	sst s2  }
0x8f: {  	_ = 	snop  }
0x90: {  	s2 =	sld [smem:$0x3FD0];
	_ =	sdelay $0x2  }
0x91: {  	s4 =	simm.s32 $0xA;
	s5 =	simm.s32 $0x10;
	s16 =	sld [smem:$0x3FBB]  }
0x92: {  	[smem:s5], [sflag:s4] =	dma.local [hbm:s2], $0x1  }
0x93: {  	_ =	swait.eq [sflag:s4], $0x1  }
0x94: {  	[sflag:s4] =	ssyncset.done $0x0  }
0x95: {  	s17 =	sld [smem:$0x10];
	[sflag:s4] =	ssyncadd.s32 $0xFFFFFFFF  }
0x96: {  	s18 =	sld [smem:$0x13];
	(tm) =	ssettm $0x1  }
0x97: {  	s19 =	sld [smem:$0x3FFB];
	_ =	sdelay $0x3  }
0x98: {  	_ =	strace s19  }
0x99: {  	s5 =	sld [smem:$0x3FFC];
	_ =	sdelay $0x3  }
0x9a: {  	_ =	strace s5  }
0x9b: {  	s5 =	sld [smem:$0x3FFD];
	_ =	sdelay $0x3  }
0x9c: {  	_ =	strace s5  }
0x9d: {  	_ =	strace $0x8FFFFFFF  }
0x9e: {  	s20 =	sld [smem:$0x3FDB];
	_ =	sdelay $0x1  }
0x9f: {  	s6 =	simm.s32 $_scs_section_size  }
0xa0: {  	s7 =	simm.s32 $_size__tile_overlayer_lowered;
	s8 =	simm.s32 $_tile_overlayer_lowered  }
0xa1: {  	s23 =	simm.s32 $0x1BFF;
	s22 =	sshll.u32 s8, $0x1;
	s5 =	sadd.s32 s6, s20  }
0xa2: {  	s9 =	simm.s32 $0x0;
	s21 =	sshll.u32 s7, $0x1;
	s7 =	sadd.s32 s22, s5  }
0xa3: {  	[timem:s9], [sflag:s23] =	dma.local [hbm:s7], s21  }
0xa4: {  	_ =	swait.ge [sflag:s23], s21  }
0xa5: {  	s6 =	ssub.s32 $0x0, s21;
	[sflag:s23] =	ssyncset.done $0x0  }
0xa6: {  	[sflag:s23] =	ssyncadd.s32 s6;
	_ =	sdelay $0x1  }
0xa7: {  	s24 =	simm.s32 $0x1B8B  }
0xa8: {  	_ =	swait.ge [sflag:s24], $0x1  }
0xa9: {  	[sflag:s24] =	ssyncset.done $0x0  }
0xaa: {  	s25 =	simm.s32 $0x1B8E;
	[sflag:s24] =	ssyncadd.s32 $0xFFFFFFFF  }
0xab: {  	s26 =	simm.s32 $execute0_lowered;
	[smem:$0x3FD2] =	sst s25  }
0xac: {  	s6 =	sshll.u32 s26, $0x1;
	_ =	strace $0x80000049;
	[dreg:$0x1] =	wrdreg $0xFFFFFFFF  }
0xad: {  	s28 =	simm.s32 $_size_execute0_lowered;
	s5 =	sadd.s32 s5, s6;
	[dreg:$0x0] =	wrdreg $0x0  }
0xae: {  	s6 =	sshll.u32 s28, $0x1;
	[dreg:$0x2] =	wrdreg s5  }
0xaf: {  	[dreg:$0x3] =	wrdreg s6  }
0xb0: {  	[dreg:$0x4] =	wrdreg $0xC0  }
0xb1: {  	_ =	task [dreg:s9], $0x5FFFF  }
0xb2: {  	[dreg:$0x1] =	wrdreg $0xFFFFFFFF  }
0xb3: {  	[dreg:$0x0] =	wrdreg $0x60  }
0xb4: {  	[dreg:$0x2] =	wrdreg s16  }
0xb5: {  	[dreg:$0x3] =	wrdreg s17  }
0xb6: {  	[dreg:$0x4] =	wrdreg s18  }
0xb7: {  	[dreg:$0x5] =	wrdreg $0x9  }
0xb8: {  	_ =	task.clear_ibuf [dreg:s9], $0x6FFFF;
	_ =	strace $0x90000049  }
0xb9: {  	s29 =	simm.s32 $0x9;
	_ =	strace $0x8000004B  }
0xba: {  	_ =	swait.ge [sflag:s29], $0x1  }
0xbb: {  	[sflag:s29] =	ssyncadd.s32 $0xFFFFFFFF  }
0xbc: {  	_ =	strace $0x9000004B  }
0xbd: {  	_ =	sfence  }
0xbe: {  	s30 =	sld [smem:$0x0];
	_ =	sdelay $0x2  }
0xbf: {  	s31 =	sshll.u32 s1, $0xD;
	s1 =	sshrl.u32 s1, $0x2  }
0xc0: {  	s3 =	sand.u32 $0x4000, s31;
	s1 =	sadd.s32 s1, s30  }
0xc1: {  	s0 =	sor.u32 s3, s0;
	s1 =	sshll.u32 s1, $0x11  }
0xc2: {  	s0 =	sor.u32 s1, s0  }
0xc3: {  	s0 =	sadd.s32 $0x8F2B, s0  }
0xc4: {  	[sflag:s0] =	ssyncadd.remote.s32 $0x1  }
0xc5: {  	_ =	sfence.sel $0xFFFF  }
0xc6: {  	[dreg:$0x0] =	wrdreg $0xFFFFFFFF;
	(pc) =	sbr.abs _section_cstart, $3  }
0xc7: {  	[dreg:$0x1] =	wrdreg $0xFFFFFFFF  }
0xc8: {  	_ =	task.clear_ibuf [dreg:s9], $0x2FFFF;
	_ =	strace $0x9FFFFFFF  }
0xc9: {  	(tm) =	ssettm $0x7FFFFFFF  }
tec
execute0_lowered:
.L_overlay_start_1:
0x0: {  	(tag) =	ssettag $0x1  }
0x1: {  	s1 =	rddreg [dreg:$0x0]  }
0x2: {  	s2 =	srdreg.scid;
	s4 =	rddreg [dreg:$0x1]  }
0x3: {  	s0 =	stileid.u32;
	s8 =	rddreg [dreg:$0x2];
	s6 =	sand.u32 $0x1, s2  }
0x4: {  	s3 =	simm.s32 $0x0;
	s5 =	sshll.u32 s0, $0x9;
	s7 =	sshll.u32 s6, $0x8  }
0x5: {  	[smem:$0x7FF] =	sst s3;
	s9 =	sor.u32 s7, s5  }
0x6: {  	s2 =	rddreg [dreg:$0x3];
	_ =	strace $0x8000004A;
	s5 =	sshrl.u32 s9, $0x3  }
0x7: {  	s10 =	ssub.s32 $0x2, s6;
	s5 =	sadd.s32 s4, s5;
	s4 =	simm.s32 $0x2  }
0x8: {  	[tilespmem:s3], [sflag:$0x2] =	stream.linear.gather [hbm4b:s5+s3], $0x100, $0x38;
	[tilespmem:$0x8100] =	vst v63  }
0x9: {  	s11 =	sshrl.u32 s10, $0x1;
	_ =	swait.ge [sflag:s4], $0x100  }
0xa: {  	s6 =	simm.s32 $0x100;
	s10 =	ssub.s32 s10, s11;
	[sflag:s4] =	ssyncset.done $0x0  }
0xb: {  	s7 =	simm.s32 $0x1;
	s31 =	smax.u32 s10, $0x1;
	[sflag:s4] =	ssyncadd.s32 $0xFFFFFF00  }
0xc: {  	[tilespmem:s6], [sflag:$0x1] =	stream.indirect.gather [hbm4b:s1+s6], $0x80, s3, s6, $0xb8;
	[tilespmem:$0x8100] =	vst v63  }
0xd: {  	p0 =	sne.s32 s31, $0x1;
	_ =	swait.ge [sflag:s7], $0x8000  }
.Ltmp0:
0xe: {  	s9 =	sshll.u32 s9, $0x4;
	[sflag:s7] =	ssyncset.done $0x0;
	(pc) =	sbr.rel @!p0 .LBB2_2-.Ltmp0, $4  }
0xf: {  	s8 =	sadd.s32 s8, s9;
	[sflag:s7] =	ssyncadd.s32 $0xFFFF8000  }
0x10: {  	[hbm4b:s8+s3] =	stream.linear.scatter [tilespmem:s6], [sflag:$0x2], $0x8000, $0x38;
	[tilespmem:$0x8100] =	vst v63  }
0x11: {  	_ =	swait.ge [sflag:s4], $0x8000  }
0x12: {  	s9 =	sadd.s32 $0xFFFFFFFF, s31;
	[sflag:s4] =	ssyncset.done $0x0  }
.LBB2_1:
0x13: {  	p0 =	sne.s32 s9, $0x1;
	s9 =	sadd.s32 $0xFFFFFFFF, s9;
	[sflag:s4] =	ssyncadd.s32 $0xFFFF8000  }
0x14: {  	[tilespmem:s3], [sflag:$0x2] =	stream.linear.gather [hbm4b:s5+s3], $0x100, $0x38;
	[tilespmem:$0x8100] =	vst v63  }
0x15: {  	_ =	swait.ge [sflag:s4], $0x100  }
0x16: {  	[sflag:s4] =	ssyncset.done $0x0  }
0x17: {  	[sflag:s4] =	ssyncadd.s32 $0xFFFFFF00  }
0x18: {  	[tilespmem:s6], [sflag:$0x1] =	stream.indirect.gather [hbm4b:s1+s6], $0x80, s3, s6, $0xb8;
	[tilespmem:$0x8100] =	vst v63  }
0x19: {  	_ =	swait.ge [sflag:s7], $0x8000  }
.Ltmp1:
0x1a: {  	[sflag:s7] =	ssyncset.done $0x0;
	(pc) =	sbr.rel @p0 .LBB2_1-.Ltmp1, $4  }
0x1b: {  	[sflag:s7] =	ssyncadd.s32 $0xFFFF8000  }
0x1c: {  	[hbm4b:s8+s3] =	stream.linear.scatter [tilespmem:s6], [sflag:$0x2], $0x8000, $0x38;
	[tilespmem:$0x8100] =	vst v63  }
0x1d: {  	_ =	swait.ge [sflag:s4], $0x8000  }
0x1e: {  	[sflag:s4] =	ssyncset.done $0x0  }
.LBB2_2:
0x1f: {  	[sflag:s4] =	ssyncadd.s32 $0xFFFF8000  }
0x20: {  	_ =	sfence.sel $0x180000  }
0x21: {  	[bflag:$0x0] =	sbarrier.arrive $0xFFFF  }
0x22: {  	p0 =	sne.s32 s0, $0x0;
	_ =	strace $0x9000004A  }
0x23: {  	s0 =	sadd.s32 @!p0 $0x100000, s2;
	[bflag:$0x2] =	sbarrier.arrive $0xFFFF  }
0x24: {  	[sflag:s0] =	ssyncadd.tile.s32 @!p0 $0x1;
	_ =	shalt  }
.Lfunc_end2:
_tile_overlayer_lowered:
.L_overlay_start_2:
0x25: {  	(tag) =	ssettag $0x2  }
0x26: {  	s0 =	rddreg [dreg:$0x0];
	s2 =	stileid.u32  }
0x27: {  	s1 =	rddreg [dreg:$0x1];
	p0 =	sne.s32 s2, $0x0  }
0x28: {  	s3 =	rddreg [dreg:$0x2];
	[bflag:$0x3] =	sbarrier.arrive $0xFFFF;
	s2 =	simm.s32 @!p0 $0x1C02  }
0x29: {  	[timem:s3], [sflag:s2] =	dma.local @!p0 [hbm:s0], s1  }
0x2a: {  	s0 =	simm.s32 @!p0 $0x2  }
0x2b: {  	_ =	swait.ge @!p0 [sflag:s0], s1  }
0x2c: {  	s1 =	ssub.s32 @!p0 $0x0, s1;
	[sflag:s0] =	ssyncset.done @!p0 $0x0  }
0x2d: {  	[sflag:s0] =	ssyncadd.s32 @!p0 s1  }
0x2e: {  	[bflag:$0x3] =	sbarrier.arrive $0xFFFF  }
0x2f: {  	_ =	shalt  }

// kernel: kernel.9.cloned.1.call-start
scs
__scs_entry_jumppad:
0x0: {  	(pc) =	sbr.rel $0x88, $3  }
0x1: {  	(tag) =	ssettag $0x0;
	lr =	simm.s32 $0x1  }
0x2: {  	[smem:$0x3F91] =	sst lr;
	_ =	strace $0xD0000000  }
0x3: {  	_ = 	snop  }
0x4: {  	_ = 	snop  }
0x5: {  	_ = 	snop  }
0x6: {  	_ = 	snop  }
0x7: {  	_ = 	snop  }
__scs_overlays_trampoline_lowered:
0x8: {  	[smem:$0x3FA0] =	sst s0  }
0x9: {  	[smem:$0x3FA1] =	sst s1  }
0xa: {  	[smem:$0x3FA2] =	sst s2  }
0xb: {  	[smem:$0x3FA3] =	sst s3  }
0xc: {  	[smem:$0x3FA4] =	sst s4  }
0xd: {  	[smem:$0x3FA5] =	sst s5  }
0xe: {  	[smem:$0x3FA6] =	sst s6  }
0xf: {  	[smem:$0x3FA7] =	sst s7  }
0x10: {  	[smem:$0x3FA8] =	sst s8  }
0x11: {  	[smem:$0x3FA9] =	sst s9;
	s0 =	simm.s32 @!p0 $0x0  }
0x12: {  	s1 =	sld [smem:$0x3F8F];
	s0 =	simm.s32 @p0 $0x1  }
0x13: {  	[smem:$0x3FAA] =	sst s0;
	s0 =	simm.s32 @!p1 $0x0  }
0x14: {  	s2 =	sld [smem:$0x3F8E];
	s0 =	simm.s32 @p1 $0x1  }
0x15: {  	[smem:$0x3FAB] =	sst s0;
	s0 =	simm.s32 @!p2 $0x0  }
0x16: {  	s3 =	sld [smem:$0x3FDB];
	s0 =	simm.s32 @p2 $0x1  }
0x17: {  	s4 =	simm.s32 $0x1BF5;
	[smem:$0x3FAD] =	sst s0  }
0x18: {  	s0 =	sld [smem:$0x3F90];
	_ =	swait.ge [sflag:s4], $0x0  }
0x19: {  	s7 =	sld [smem:$0x3F91]  }
0x1a: {  	s8 =	sadd.s32 $0xFFFFE003, lr  }
0x1b: {  	s9 =	sadd.s32 $0xFFFFFEF7, lr;
	s5 =	simm.s32 $0xFFFFFFFF;
	p2 =	slt.u32 s8, $0xFFFFF086  }
0x1c: {  	p1 =	slt.u32 s9, $0xF7A;
	s5 =	simm.s32 @!p2 $0x0  }
0x1d: {  	s5 =	simm.s32 @p1 $0x1;
	p0 =	seq.s32 s7, s2  }
0x1e: {  	s7 =	smul.u32 @!p0 $0xF7A, s2;
	p2 =	seq.s32 @!p0 s5, $0x0  }
0x1f: {  	s9 =	smul.u32 $0xF7A, s1;
	s8 =	simm.s32 @!p0 $0x1BF5;
	p2 =	por !p2, p0  }
0x20: {  	[sflag:s8] =	ssyncset.s32 @!p0 $0xFFFFF086;
	s6 =	sadd.s32 @!p0 s3, s7;
	s7 =	simm.s32 @!p0 $0x108  }
0x21: {  	s3 =	sadd.s32 s3, s9;
	s6 =	sadd.s32 @!p0 $0x88, s6;
	s7 =	simm.s32 @p2 $0x1082  }
0x22: {  	[simem:s7], [sflag:s8] =	dma.local @!p0 [hbm:s6], $0xF7A  }
0x23: {  	s9 =	sor.u32 $0xD0000000, s2;
	s6 =	simm.s32 $0x108;
	_ =	swait.ge @!p0 [sflag:s8], $0x0  }
0x24: {  	s3 =	sadd.s32 $0x88, s3;
	s6 =	simm.s32 @!p1 $0x1082;
	[sflag:s4] =	ssyncset.s32 $0xFFFFF086  }
0x25: {  	[simem:s6], [sflag:s4] =	dma.local [hbm:s3], $0xF7A  }
0x26: {  	[smem:$0x3F91] =	sst s1;
	(tag) =	ssettag s2;
	_ =	strace s9  }
0x27: {  	s1 =	sld [smem:$0x3FA1]  }
0x28: {  	s2 =	sld [smem:$0x3FA2]  }
0x29: {  	s4 =	sld [smem:$0x3FA4]  }
0x2a: {  	p0 =	seq.s32 s5, $0x0;
	s5 =	sld [smem:$0x3FA5]  }
0x2b: {  	s6 =	sld [smem:$0x3FA6]  }
0x2c: {  	s7 =	sld [smem:$0x3FA7]  }
0x2d: {  	s3 =	simm.s32 $0x108;
	s8 =	sld [smem:$0x3FA8]  }
0x2e: {  	s3 =	simm.s32 @!p0 $0x1082;
	s9 =	sld [smem:$0x3FA9]  }
0x2f: {  	lr =	sadd.s32 s0, s3;
	s0 =	sld [smem:$0x3FA0]  }
0x30: {  	s3 =	sld [smem:$0x3FA3]  }
0x31: {  	[smem:$0x3FAC] =	sst s10  }
0x32: {  	s10 =	sld [smem:$0x3FAA];
	_ =	sdelay $0x3  }
0x33: {  	p0 =	seq.s32 s10, $0x1;
	s10 =	sld [smem:$0x3FAC];
	_ =	sdelay $0x3  }
0x34: {  	[smem:$0x3FAC] =	sst s10  }
0x35: {  	s10 =	sld [smem:$0x3FAB];
	_ =	sdelay $0x3  }
0x36: {  	p1 =	seq.s32 s10, $0x1;
	s10 =	sld [smem:$0x3FAC];
	_ =	sdelay $0x3  }
0x37: {  	[smem:$0x3FAC] =	sst s10  }
0x38: {  	s10 =	sld [smem:$0x3FAD]  }
0x39: {  	_ = 	snop;
	(pc) =	sbr.ind lr, $3  }
0x3a: {  	_ = 	snop  }
0x3b: {  	_ = 	snop  }
0x3c: {  	p2 =	seq.s32 s10, $0x1;
	s10 =	sld [smem:$0x3FAC]  }
0x3d: {  	_ =	shalt  }
0x3e: {  	_ =	shalt  }
0x3f: {  	_ =	shalt  }
0x40: {  	_ =	shalt  }
0x41: {  	_ =	shalt  }
0x42: {  	_ =	shalt  }
0x43: {  	_ =	shalt  }
0x44: {  	_ =	shalt  }
0x45: {  	_ =	shalt  }
0x46: {  	_ =	shalt  }
0x47: {  	_ =	shalt  }
0x48: {  	_ =	shalt  }
0x49: {  	_ =	shalt  }
0x4a: {  	_ =	shalt  }
0x4b: {  	_ =	shalt  }
0x4c: {  	_ =	shalt  }
0x4d: {  	_ =	shalt  }
0x4e: {  	_ =	shalt  }
0x4f: {  	_ =	shalt  }
0x50: {  	_ =	shalt  }
0x51: {  	_ =	shalt  }
0x52: {  	_ =	shalt  }
0x53: {  	_ =	shalt  }
0x54: {  	_ =	shalt  }
0x55: {  	_ =	shalt  }
0x56: {  	_ =	shalt  }
0x57: {  	_ =	shalt  }
0x58: {  	_ =	shalt  }
0x59: {  	_ =	shalt  }
0x5a: {  	_ =	shalt  }
0x5b: {  	_ =	shalt  }
0x5c: {  	_ =	shalt  }
0x5d: {  	_ =	shalt  }
0x5e: {  	_ =	shalt  }
0x5f: {  	_ =	shalt  }
0x60: {  	_ =	shalt  }
0x61: {  	_ =	shalt  }
0x62: {  	_ =	shalt  }
0x63: {  	_ =	shalt  }
0x64: {  	_ =	shalt  }
0x65: {  	_ =	shalt  }
0x66: {  	_ =	shalt  }
0x67: {  	_ =	shalt  }
0x68: {  	_ =	shalt  }
0x69: {  	_ =	shalt  }
0x6a: {  	_ =	shalt  }
0x6b: {  	_ =	shalt  }
0x6c: {  	_ =	shalt  }
0x6d: {  	_ =	shalt  }
0x6e: {  	_ =	shalt  }
0x6f: {  	_ =	shalt  }
0x70: {  	_ =	shalt  }
0x71: {  	_ =	shalt  }
0x72: {  	_ =	shalt  }
0x73: {  	_ =	shalt  }
0x74: {  	_ =	shalt  }
0x75: {  	_ =	shalt  }
0x76: {  	_ =	shalt  }
0x77: {  	_ =	shalt  }
0x78: {  	_ =	shalt  }
0x79: {  	_ =	shalt  }
0x7a: {  	_ =	shalt  }
0x7b: {  	_ =	shalt  }
0x7c: {  	_ =	shalt  }
0x7d: {  	_ =	shalt  }
0x7e: {  	_ =	shalt  }
0x7f: {  	_ =	shalt  }
0x80: {  	_ =	shalt  }
0x81: {  	_ =	shalt  }
0x82: {  	_ =	shalt  }
0x83: {  	_ =	shalt  }
0x84: {  	_ =	shalt  }
0x85: {  	_ =	shalt  }
0x86: {  	_ =	shalt  }
0x87: {  	_ =	shalt  }
.Lfunc_end0:
.L_simem_size_0:
called_computation_lowered:
.L_overlay_start_0:
0x88: {  	s2 =	sld [smem:$0x3FD9]  }
0x89: {  	s3 =	sld [smem:$0x3FFE];
	_ =	sdelay $0x1  }
0x8a: {  	s1 =	srdreg.scid  }
0x8b: {  	s0 =	sand.u32 $0x1, s1  }
0x8c: {  	s14 =	sshll.u32 s0, $0xA;
	s2 =	sadd.s32 s3, s2  }
0x8d: {  	s2 =	sadd.s32 s2, s14  }
0x8e: {  	[smem:$0x3FB8] =	sst s2  }
0x8f: {  	_ = 	snop  }
0x90: {  	s2 =	sld [smem:$0x3FD0];
	_ =	sdelay $0x2  }
0x91: {  	s15 =	simm.s32 $0xA;
	s4 =	simm.s32 $0x10  }
0x92: {  	[smem:s4], [sflag:s15] =	dma.local [hbm:s2], $0x1  }
0x93: {  	_ =	swait.eq [sflag:s15], $0x1  }
0x94: {  	[sflag:s15] =	ssyncset.done $0x0  }
0x95: {  	[sflag:s15] =	ssyncadd.s32 $0xFFFFFFFF  }
0x96: {  	s16 =	sld [smem:$0x10];
	(tm) =	ssettm $0x1  }
0x97: {  	s17 =	sld [smem:$0x3FFB];
	_ =	sdelay $0x3  }
0x98: {  	_ =	strace s17  }
0x99: {  	s3 =	sld [smem:$0x3FFC];
	_ =	sdelay $0x3  }
0x9a: {  	_ =	strace s3  }
0x9b: {  	s3 =	sld [smem:$0x3FFD];
	_ =	sdelay $0x3  }
0x9c: {  	_ =	strace s3  }
0x9d: {  	_ =	strace $0x8FFFFFFF  }
0x9e: {  	s18 =	sld [smem:$0x3FDB];
	_ =	sdelay $0x1  }
0x9f: {  	s19 =	simm.s32 $_scs_section_size  }
0xa0: {  	s5 =	simm.s32 $_size__tile_overlayer_lowered;
	s6 =	simm.s32 $_tile_overlayer_lowered  }
0xa1: {  	s22 =	simm.s32 $0x1BFF;
	s21 =	sshll.u32 s6, $0x1;
	s3 =	sadd.s32 s19, s18  }
0xa2: {  	s7 =	simm.s32 $0x0;
	s20 =	sshll.u32 s5, $0x1;
	s5 =	sadd.s32 s21, s3  }
0xa3: {  	[timem:s7], [sflag:s22] =	dma.local [hbm:s5], s20  }
0xa4: {  	_ =	swait.ge [sflag:s22], s20  }
0xa5: {  	s4 =	ssub.s32 $0x0, s20;
	[sflag:s22] =	ssyncset.done $0x0  }
0xa6: {  	[sflag:s22] =	ssyncadd.s32 s4;
	_ =	sdelay $0x1  }
0xa7: {  	s23 =	simm.s32 $0x1B8B  }
0xa8: {  	_ =	swait.ge [sflag:s23], $0x1  }
0xa9: {  	[sflag:s23] =	ssyncset.done $0x0  }
0xaa: {  	s25 =	simm.s32 $0x1B8E;
	s24 =	sld [smem:$0x3FFE];
	[sflag:s23] =	ssyncadd.s32 $0xFFFFFFFF  }
0xab: {  	s26 =	simm.s32 $execute0_lowered;
	[smem:$0x3FD2] =	sst s25  }
0xac: {  	s5 =	sshll.u32 s26, $0x1;
	_ =	strace $0x80000046;
	[dreg:$0x1] =	wrdreg $0xFFFFFFFF  }
0xad: {  	s28 =	simm.s32 $_size_execute0_lowered;
	s3 =	sadd.s32 s3, s5;
	[dreg:$0x0] =	wrdreg $0x0  }
0xae: {  	s5 =	sshll.u32 s28, $0x1;
	[dreg:$0x2] =	wrdreg s3  }
0xaf: {  	[dreg:$0x3] =	wrdreg s5  }
0xb0: {  	[dreg:$0x4] =	wrdreg $0xC0  }
0xb1: {  	_ =	task [dreg:s7], $0x5FFFF  }
0xb2: {  	[dreg:$0x1] =	wrdreg $0xFFFFFFFF  }
0xb3: {  	[dreg:$0x0] =	wrdreg $0x60  }
0xb4: {  	[dreg:$0x2] =	wrdreg s24  }
0xb5: {  	[dreg:$0x3] =	wrdreg s16  }
0xb6: {  	[dreg:$0x4] =	wrdreg $0x9  }
0xb7: {  	_ =	task.clear_ibuf [dreg:s7], $0x5FFFF;
	_ =	strace $0x90000046  }
0xb8: {  	s29 =	simm.s32 $0x9;
	_ =	strace $0x80000048  }
0xb9: {  	_ =	swait.ge [sflag:s29], $0x1  }
0xba: {  	[sflag:s29] =	ssyncadd.s32 $0xFFFFFFFF  }
0xbb: {  	_ =	strace $0x90000048  }
0xbc: {  	_ =	sfence  }
0xbd: {  	s30 =	sld [smem:$0x0];
	_ =	sdelay $0x2  }
0xbe: {  	s31 =	sshll.u32 s1, $0xD;
	s1 =	sshrl.u32 s1, $0x2  }
0xbf: {  	s3 =	sand.u32 $0x4000, s31;
	s1 =	sadd.s32 s1, s30  }
0xc0: {  	s0 =	sor.u32 s3, s0;
	s1 =	sshll.u32 s1, $0x11  }
0xc1: {  	s0 =	sor.u32 s1, s0  }
0xc2: {  	s0 =	sadd.s32 $0x8F2B, s0  }
0xc3: {  	[sflag:s0] =	ssyncadd.remote.s32 $0x1  }
0xc4: {  	_ =	sfence.sel $0xFFFF  }
0xc5: {  	[dreg:$0x0] =	wrdreg $0xFFFFFFFF;
	(pc) =	sbr.abs _section_cstart, $3  }
0xc6: {  	[dreg:$0x1] =	wrdreg $0xFFFFFFFF  }
0xc7: {  	_ =	task.clear_ibuf [dreg:s7], $0x2FFFF;
	_ =	strace $0x9FFFFFFF  }
0xc8: {  	(tm) =	ssettm $0x7FFFFFFF  }
0xc9: {  	_ =	shalt  }
tec
execute0_lowered:
.L_overlay_start_1:
0x0: {  	(tag) =	ssettag $0x1  }
0x1: {  	s1 =	srdreg.scid  }
0x2: {  	s8 =	rddreg [dreg:$0x0];
	s0 =	stileid.u32;
	s22 =	sand.u32 $0x1, s1  }
0x3: {  	s21 =	rddreg [dreg:$0x1];
	s3 =	sshll.u32 s0, $0xD;
	s4 =	sshll.u32 s22, $0xC  }
0x4: {  	s2 =	simm.s32 $0x0;
	s1 =	rddreg [dreg:$0x2];
	s24 =	sor.u32 s4, s3  }
0x5: {  	[smem:$0x7FF] =	sst s2;
	s3 =	sshrl.u32 s24, $0x3  }
0x6: {  	_ =	strace $0x80000047;
	s4 =	sadd.s32 s21, s3;
	s3 =	simm.s32 $0x2  }
0x7: {  	[tilespmem:s2], [sflag:$0x2] =	stream.linear.gather [hbm4b:s4+s2], $0x200, $0x38;
	[tilespmem:$0x10200] =	vst v63  }
0x8: {  	_ =	swait.ge [sflag:s3], $0x200  }
0x9: {  	s6 =	simm.s32 $0x200;
	[sflag:s3] =	ssyncset.done $0x0  }
0xa: {  	s7 =	simm.s32 $0x1;
	s5 =	sadd.s32 $0xC7400, s8;
	[sflag:s3] =	ssyncadd.s32 $0xFFFFFE00  }
0xb: {  	[tilespmem:s6], [sflag:$0x1] =	stream.indirect.gather [hbm4b:s5+s6], $0x80, s2, s6, $0xb8;
	[tilespmem:$0x10200] =	vst v63  }
0xc: {  	_ =	swait.ge [sflag:s7], $0x10000  }
0xd: {  	s23 =	sadd.s32 $0x3D4800, s8;
	s28 =	sshll.u32 s24, $0x4;
	[sflag:s7] =	ssyncset.done $0x0  }
0xe: {  	s8 =	sadd.s32 s23, s28;
	[sflag:s7] =	ssyncadd.s32 $0xFFFF0000  }
0xf: {  	[hbm4b:s8+s2] =	stream.linear.scatter [tilespmem:s6], [sflag:$0x2], $0x10000, $0x38;
	[tilespmem:$0x10200] =	vst v63  }
0x10: {  	s10 =	sor.u32 $0x200, s24;
	_ =	swait.ge [sflag:s3], $0x10000  }
0x11: {  	s9 =	sshrl.u32 s10, $0x3;
	[sflag:s3] =	ssyncset.done $0x0  }
0x12: {  	s9 =	sadd.s32 s21, s9;
	[sflag:s3] =	ssyncadd.s32 $0xFFFF0000  }
0x13: {  	[tilespmem:s2], [sflag:$0x2] =	stream.linear.gather [hbm4b:s9+s2], $0x200, $0x38;
	[tilespmem:$0x10200] =	vst v63  }
0x14: {  	_ =	swait.ge [sflag:s3], $0x200  }
0x15: {  	[sflag:s3] =	ssyncset.done $0x0  }
0x16: {  	[sflag:s3] =	ssyncadd.s32 $0xFFFFFE00  }
0x17: {  	[tilespmem:s6], [sflag:$0x1] =	stream.indirect.gather [hbm4b:s5+s6], $0x80, s2, s6, $0xb8;
	[tilespmem:$0x10200] =	vst v63  }
0x18: {  	_ =	swait.ge [sflag:s7], $0x10000  }
0x19: {  	s10 =	sshll.u32 s10, $0x4;
	[sflag:s7] =	ssyncset.done $0x0  }
0x1a: {  	s10 =	sadd.s32 s23, s10;
	[sflag:s7] =	ssyncadd.s32 $0xFFFF0000  }
0x1b: {  	[hbm4b:s10+s2] =	stream.linear.scatter [tilespmem:s6], [sflag:$0x2], $0x10000, $0x38;
	[tilespmem:$0x10200] =	vst v63  }
0x1c: {  	s12 =	sor.u32 $0x400, s24;
	_ =	swait.ge [sflag:s3], $0x10000  }
0x1d: {  	s11 =	sshrl.u32 s12, $0x3;
	[sflag:s3] =	ssyncset.done $0x0  }
0x1e: {  	s11 =	sadd.s32 s21, s11;
	[sflag:s3] =	ssyncadd.s32 $0xFFFF0000  }
0x1f: {  	[tilespmem:s2], [sflag:$0x2] =	stream.linear.gather [hbm4b:s11+s2], $0x200, $0x38;
	[tilespmem:$0x10200] =	vst v63  }
0x20: {  	_ =	swait.ge [sflag:s3], $0x200  }
0x21: {  	[sflag:s3] =	ssyncset.done $0x0  }
0x22: {  	[sflag:s3] =	ssyncadd.s32 $0xFFFFFE00  }
0x23: {  	[tilespmem:s6], [sflag:$0x1] =	stream.indirect.gather [hbm4b:s5+s6], $0x80, s2, s6, $0xb8;
	[tilespmem:$0x10200] =	vst v63  }
0x24: {  	_ =	swait.ge [sflag:s7], $0x10000  }
0x25: {  	s12 =	sshll.u32 s12, $0x4;
	[sflag:s7] =	ssyncset.done $0x0  }
0x26: {  	s12 =	sadd.s32 s23, s12;
	[sflag:s7] =	ssyncadd.s32 $0xFFFF0000  }
0x27: {  	[hbm4b:s12+s2] =	stream.linear.scatter [tilespmem:s6], [sflag:$0x2], $0x10000, $0x38;
	[tilespmem:$0x10200] =	vst v63  }
0x28: {  	s14 =	sor.u32 $0x600, s24;
	_ =	swait.ge [sflag:s3], $0x10000  }
0x29: {  	s13 =	sshrl.u32 s14, $0x3;
	[sflag:s3] =	ssyncset.done $0x0  }
0x2a: {  	s13 =	sadd.s32 s21, s13;
	[sflag:s3] =	ssyncadd.s32 $0xFFFF0000  }
0x2b: {  	[tilespmem:s2], [sflag:$0x2] =	stream.linear.gather [hbm4b:s13+s2], $0x200, $0x38;
	[tilespmem:$0x10200] =	vst v63  }
0x2c: {  	_ =	swait.ge [sflag:s3], $0x200  }
0x2d: {  	[sflag:s3] =	ssyncset.done $0x0  }
0x2e: {  	[sflag:s3] =	ssyncadd.s32 $0xFFFFFE00  }
0x2f: {  	[tilespmem:s6], [sflag:$0x1] =	stream.indirect.gather [hbm4b:s5+s6], $0x80, s2, s6, $0xb8;
	[tilespmem:$0x10200] =	vst v63  }
0x30: {  	_ =	swait.ge [sflag:s7], $0x10000  }
0x31: {  	s14 =	sshll.u32 s14, $0x4;
	[sflag:s7] =	ssyncset.done $0x0  }
0x32: {  	s14 =	sadd.s32 s23, s14;
	[sflag:s7] =	ssyncadd.s32 $0xFFFF0000  }
0x33: {  	[hbm4b:s14+s2] =	stream.linear.scatter [tilespmem:s6], [sflag:$0x2], $0x10000, $0x38;
	[tilespmem:$0x10200] =	vst v63  }
0x34: {  	s16 =	sor.u32 $0x800, s24;
	_ =	swait.ge [sflag:s3], $0x10000  }
0x35: {  	s15 =	sshrl.u32 s16, $0x3;
	[sflag:s3] =	ssyncset.done $0x0  }
0x36: {  	s15 =	sadd.s32 s21, s15;
	[sflag:s3] =	ssyncadd.s32 $0xFFFF0000  }
0x37: {  	[tilespmem:s2], [sflag:$0x2] =	stream.linear.gather [hbm4b:s15+s2], $0x200, $0x38;
	[tilespmem:$0x10200] =	vst v63  }
0x38: {  	_ =	swait.ge [sflag:s3], $0x200  }
0x39: {  	[sflag:s3] =	ssyncset.done $0x0  }
0x3a: {  	[sflag:s3] =	ssyncadd.s32 $0xFFFFFE00  }
0x3b: {  	[tilespmem:s6], [sflag:$0x1] =	stream.indirect.gather [hbm4b:s5+s6], $0x80, s2, s6, $0xb8;
	[tilespmem:$0x10200] =	vst v63  }
0x3c: {  	_ =	swait.ge [sflag:s7], $0x10000  }
0x3d: {  	s16 =	sshll.u32 s16, $0x4;
	[sflag:s7] =	ssyncset.done $0x0  }
0x3e: {  	s16 =	sadd.s32 s23, s16;
	[sflag:s7] =	ssyncadd.s32 $0xFFFF0000  }
0x3f: {  	[hbm4b:s16+s2] =	stream.linear.scatter [tilespmem:s6], [sflag:$0x2], $0x10000, $0x38;
	[tilespmem:$0x10200] =	vst v63  }
0x40: {  	s18 =	sor.u32 $0xA00, s24;
	_ =	swait.ge [sflag:s3], $0x10000  }
0x41: {  	s17 =	sshrl.u32 s18, $0x3;
	[sflag:s3] =	ssyncset.done $0x0  }
0x42: {  	s17 =	sadd.s32 s21, s17;
	[sflag:s3] =	ssyncadd.s32 $0xFFFF0000  }
0x43: {  	[tilespmem:s2], [sflag:$0x2] =	stream.linear.gather [hbm4b:s17+s2], $0x200, $0x38;
	[tilespmem:$0x10200] =	vst v63  }
0x44: {  	_ =	swait.ge [sflag:s3], $0x200  }
0x45: {  	[sflag:s3] =	ssyncset.done $0x0  }
0x46: {  	[sflag:s3] =	ssyncadd.s32 $0xFFFFFE00  }
0x47: {  	[tilespmem:s6], [sflag:$0x1] =	stream.indirect.gather [hbm4b:s5+s6], $0x80, s2, s6, $0xb8;
	[tilespmem:$0x10200] =	vst v63  }
0x48: {  	_ =	swait.ge [sflag:s7], $0x10000  }
0x49: {  	s18 =	sshll.u32 s18, $0x4;
	[sflag:s7] =	ssyncset.done $0x0  }
0x4a: {  	s18 =	sadd.s32 s23, s18;
	[sflag:s7] =	ssyncadd.s32 $0xFFFF0000  }
0x4b: {  	[hbm4b:s18+s2] =	stream.linear.scatter [tilespmem:s6], [sflag:$0x2], $0x10000, $0x38;
	[tilespmem:$0x10200] =	vst v63  }
0x4c: {  	s20 =	sor.u32 $0xC00, s24;
	_ =	swait.ge [sflag:s3], $0x10000  }
0x4d: {  	s19 =	sshrl.u32 s20, $0x3;
	[sflag:s3] =	ssyncset.done $0x0  }
0x4e: {  	s19 =	sadd.s32 s21, s19;
	[sflag:s3] =	ssyncadd.s32 $0xFFFF0000  }
0x4f: {  	[tilespmem:s2], [sflag:$0x2] =	stream.linear.gather [hbm4b:s19+s2], $0x200, $0x38;
	[tilespmem:$0x10200] =	vst v63  }
0x50: {  	_ =	swait.ge [sflag:s3], $0x200  }
0x51: {  	[sflag:s3] =	ssyncset.done $0x0  }
0x52: {  	[sflag:s3] =	ssyncadd.s32 $0xFFFFFE00  }
0x53: {  	[tilespmem:s6], [sflag:$0x1] =	stream.indirect.gather [hbm4b:s5+s6], $0x80, s2, s6, $0xb8;
	[tilespmem:$0x10200] =	vst v63  }
0x54: {  	_ =	swait.ge [sflag:s7], $0x10000  }
0x55: {  	s20 =	sshll.u32 s20, $0x4;
	[sflag:s7] =	ssyncset.done $0x0  }
0x56: {  	s20 =	sadd.s32 s23, s20;
	[sflag:s7] =	ssyncadd.s32 $0xFFFF0000  }
0x57: {  	[hbm4b:s20+s2] =	stream.linear.scatter [tilespmem:s6], [sflag:$0x2], $0x10000, $0x38;
	[tilespmem:$0x10200] =	vst v63  }
0x58: {  	s24 =	sor.u32 $0xE00, s24;
	_ =	swait.ge [sflag:s3], $0x10000  }
0x59: {  	s25 =	sshrl.u32 s24, $0x3;
	[sflag:s3] =	ssyncset.done $0x0  }
0x5a: {  	s22 =	ssub.s32 $0x2, s22;
	s21 =	sadd.s32 s21, s25;
	[sflag:s3] =	ssyncadd.s32 $0xFFFF0000  }
0x5b: {  	[tilespmem:s2], [sflag:$0x2] =	stream.linear.gather [hbm4b:s21+s2], $0x200, $0x38;
	[tilespmem:$0x10200] =	vst v63  }
0x5c: {  	s29 =	sshrl.u32 s22, $0x1;
	_ =	swait.ge [sflag:s3], $0x200  }
0x5d: {  	s25 =	ssub.s32 s22, s29;
	[sflag:s3] =	ssyncset.done $0x0  }
0x5e: {  	s31 =	smax.u32 s25, $0x1;
	[sflag:s3] =	ssyncadd.s32 $0xFFFFFE00  }
0x5f: {  	[tilespmem:s6], [sflag:$0x1] =	stream.indirect.gather [hbm4b:s5+s6], $0x80, s2, s6, $0xb8;
	[tilespmem:$0x10200] =	vst v63  }
0x60: {  	p0 =	sne.s32 s31, $0x1;
	_ =	swait.ge [sflag:s7], $0x10000  }
.Ltmp0:
0x61: {  	s30 =	sshll.u32 s24, $0x4;
	[sflag:s7] =	ssyncset.done $0x0;
	(pc) =	sbr.rel @!p0 .LBB2_2-.Ltmp0, $4  }
0x62: {  	s22 =	sadd.s32 s23, s30;
	[sflag:s7] =	ssyncadd.s32 $0xFFFF0000  }
0x63: {  	[hbm4b:s22+s2] =	stream.linear.scatter [tilespmem:s6], [sflag:$0x2], $0x10000, $0x38;
	[tilespmem:$0x10200] =	vst v63  }
0x64: {  	_ =	swait.ge [sflag:s3], $0x10000  }
0x65: {  	s23 =	sadd.s32 $0xFFFFFFFF, s31;
	[sflag:s3] =	ssyncset.done $0x0  }
.LBB2_1:
0x66: {  	p0 =	sne.s32 s23, $0x1;
	s23 =	sadd.s32 $0xFFFFFFFF, s23;
	[sflag:s3] =	ssyncadd.s32 $0xFFFF0000  }
0x67: {  	[tilespmem:s2], [sflag:$0x2] =	stream.linear.gather [hbm4b:s4+s2], $0x200, $0x38;
	[tilespmem:$0x10200] =	vst v63  }
0x68: {  	_ =	swait.ge [sflag:s3], $0x200  }
0x69: {  	[sflag:s3] =	ssyncset.done $0x0  }
0x6a: {  	[sflag:s3] =	ssyncadd.s32 $0xFFFFFE00  }
0x6b: {  	[tilespmem:s6], [sflag:$0x1] =	stream.indirect.gather [hbm4b:s5+s6], $0x80, s2, s6, $0xb8;
	[tilespmem:$0x10200] =	vst v63  }
0x6c: {  	_ =	swait.ge [sflag:s7], $0x10000  }
0x6d: {  	[sflag:s7] =	ssyncset.done $0x0  }
0x6e: {  	[sflag:s7] =	ssyncadd.s32 $0xFFFF0000  }
0x6f: {  	[hbm4b:s8+s2] =	stream.linear.scatter [tilespmem:s6], [sflag:$0x2], $0x10000, $0x38;
	[tilespmem:$0x10200] =	vst v63  }
0x70: {  	_ =	swait.ge [sflag:s3], $0x10000  }
0x71: {  	[sflag:s3] =	ssyncset.done $0x0  }
0x72: {  	[sflag:s3] =	ssyncadd.s32 $0xFFFF0000  }
0x73: {  	[tilespmem:s2], [sflag:$0x2] =	stream.linear.gather [hbm4b:s9+s2], $0x200, $0x38;
	[tilespmem:$0x10200] =	vst v63  }
0x74: {  	_ =	swait.ge [sflag:s3], $0x200  }
0x75: {  	[sflag:s3] =	ssyncset.done $0x0  }
0x76: {  	[sflag:s3] =	ssyncadd.s32 $0xFFFFFE00  }
0x77: {  	[tilespmem:s6], [sflag:$0x1] =	stream.indirect.gather [hbm4b:s5+s6], $0x80, s2, s6, $0xb8;
	[tilespmem:$0x10200] =	vst v63  }
0x78: {  	_ =	swait.ge [sflag:s7], $0x10000  }
0x79: {  	[sflag:s7] =	ssyncset.done $0x0  }
0x7a: {  	[sflag:s7] =	ssyncadd.s32 $0xFFFF0000  }
0x7b: {  	[hbm4b:s10+s2] =	stream.linear.scatter [tilespmem:s6], [sflag:$0x2], $0x10000, $0x38;
	[tilespmem:$0x10200] =	vst v63  }
0x7c: {  	_ =	swait.ge [sflag:s3], $0x10000  }
0x7d: {  	[sflag:s3] =	ssyncset.done $0x0  }
0x7e: {  	[sflag:s3] =	ssyncadd.s32 $0xFFFF0000  }
0x7f: {  	[tilespmem:s2], [sflag:$0x2] =	stream.linear.gather [hbm4b:s11+s2], $0x200, $0x38;
	[tilespmem:$0x10200] =	vst v63  }
0x80: {  	_ =	swait.ge [sflag:s3], $0x200  }
0x81: {  	[sflag:s3] =	ssyncset.done $0x0  }
0x82: {  	[sflag:s3] =	ssyncadd.s32 $0xFFFFFE00  }
0x83: {  	[tilespmem:s6], [sflag:$0x1] =	stream.indirect.gather [hbm4b:s5+s6], $0x80, s2, s6, $0xb8;
	[tilespmem:$0x10200] =	vst v63  }
0x84: {  	_ =	swait.ge [sflag:s7], $0x10000  }
0x85: {  	[sflag:s7] =	ssyncset.done $0x0  }
0x86: {  	[sflag:s7] =	ssyncadd.s32 $0xFFFF0000  }
0x87: {  	[hbm4b:s12+s2] =	stream.linear.scatter [tilespmem:s6], [sflag:$0x2], $0x10000, $0x38;
	[tilespmem:$0x10200] =	vst v63  }
0x88: {  	_ =	swait.ge [sflag:s3], $0x10000  }
0x89: {  	[sflag:s3] =	ssyncset.done $0x0  }
0x8a: {  	[sflag:s3] =	ssyncadd.s32 $0xFFFF0000  }
0x8b: {  	[tilespmem:s2], [sflag:$0x2] =	stream.linear.gather [hbm4b:s13+s2], $0x200, $0x38;
	[tilespmem:$0x10200] =	vst v63  }
0x8c: {  	_ =	swait.ge [sflag:s3], $0x200  }
0x8d: {  	[sflag:s3] =	ssyncset.done $0x0  }
0x8e: {  	[sflag:s3] =	ssyncadd.s32 $0xFFFFFE00  }
0x8f: {  	[tilespmem:s6], [sflag:$0x1] =	stream.indirect.gather [hbm4b:s5+s6], $0x80, s2, s6, $0xb8;
	[tilespmem:$0x10200] =	vst v63  }
0x90: {  	_ =	swait.ge [sflag:s7], $0x10000  }
0x91: {  	[sflag:s7] =	ssyncset.done $0x0  }
0x92: {  	[sflag:s7] =	ssyncadd.s32 $0xFFFF0000  }
0x93: {  	[hbm4b:s14+s2] =	stream.linear.scatter [tilespmem:s6], [sflag:$0x2], $0x10000, $0x38;
	[tilespmem:$0x10200] =	vst v63  }
0x94: {  	_ =	swait.ge [sflag:s3], $0x10000  }
0x95: {  	[sflag:s3] =	ssyncset.done $0x0  }
0x96: {  	[sflag:s3] =	ssyncadd.s32 $0xFFFF0000  }
0x97: {  	[tilespmem:s2], [sflag:$0x2] =	stream.linear.gather [hbm4b:s15+s2], $0x200, $0x38;
	[tilespmem:$0x10200] =	vst v63  }
0x98: {  	_ =	swait.ge [sflag:s3], $0x200  }
0x99: {  	[sflag:s3] =	ssyncset.done $0x0  }
0x9a: {  	[sflag:s3] =	ssyncadd.s32 $0xFFFFFE00  }
0x9b: {  	[tilespmem:s6], [sflag:$0x1] =	stream.indirect.gather [hbm4b:s5+s6], $0x80, s2, s6, $0xb8;
	[tilespmem:$0x10200] =	vst v63  }
0x9c: {  	_ =	swait.ge [sflag:s7], $0x10000  }
0x9d: {  	[sflag:s7] =	ssyncset.done $0x0  }
0x9e: {  	[sflag:s7] =	ssyncadd.s32 $0xFFFF0000  }
0x9f: {  	[hbm4b:s16+s2] =	stream.linear.scatter [tilespmem:s6], [sflag:$0x2], $0x10000, $0x38;
	[tilespmem:$0x10200] =	vst v63  }
0xa0: {  	_ =	swait.ge [sflag:s3], $0x10000  }
0xa1: {  	[sflag:s3] =	ssyncset.done $0x0  }
0xa2: {  	[sflag:s3] =	ssyncadd.s32 $0xFFFF0000  }
0xa3: {  	[tilespmem:s2], [sflag:$0x2] =	stream.linear.gather [hbm4b:s17+s2], $0x200, $0x38;
	[tilespmem:$0x10200] =	vst v63  }
0xa4: {  	_ =	swait.ge [sflag:s3], $0x200  }
0xa5: {  	[sflag:s3] =	ssyncset.done $0x0  }
0xa6: {  	[sflag:s3] =	ssyncadd.s32 $0xFFFFFE00  }
0xa7: {  	[tilespmem:s6], [sflag:$0x1] =	stream.indirect.gather [hbm4b:s5+s6], $0x80, s2, s6, $0xb8;
	[tilespmem:$0x10200] =	vst v63  }
0xa8: {  	_ =	swait.ge [sflag:s7], $0x10000  }
0xa9: {  	[sflag:s7] =	ssyncset.done $0x0  }
0xaa: {  	[sflag:s7] =	ssyncadd.s32 $0xFFFF0000  }
0xab: {  	[hbm4b:s18+s2] =	stream.linear.scatter [tilespmem:s6], [sflag:$0x2], $0x10000, $0x38;
	[tilespmem:$0x10200] =	vst v63  }
0xac: {  	_ =	swait.ge [sflag:s3], $0x10000  }
0xad: {  	[sflag:s3] =	ssyncset.done $0x0  }
0xae: {  	[sflag:s3] =	ssyncadd.s32 $0xFFFF0000  }
0xaf: {  	[tilespmem:s2], [sflag:$0x2] =	stream.linear.gather [hbm4b:s19+s2], $0x200, $0x38;
	[tilespmem:$0x10200] =	vst v63  }
0xb0: {  	_ =	swait.ge [sflag:s3], $0x200  }
0xb1: {  	[sflag:s3] =	ssyncset.done $0x0  }
0xb2: {  	[sflag:s3] =	ssyncadd.s32 $0xFFFFFE00  }
0xb3: {  	[tilespmem:s6], [sflag:$0x1] =	stream.indirect.gather [hbm4b:s5+s6], $0x80, s2, s6, $0xb8;
	[tilespmem:$0x10200] =	vst v63  }
0xb4: {  	_ =	swait.ge [sflag:s7], $0x10000  }
0xb5: {  	[sflag:s7] =	ssyncset.done $0x0  }
0xb6: {  	[sflag:s7] =	ssyncadd.s32 $0xFFFF0000  }
0xb7: {  	[hbm4b:s20+s2] =	stream.linear.scatter [tilespmem:s6], [sflag:$0x2], $0x10000, $0x38;
	[tilespmem:$0x10200] =	vst v63  }
0xb8: {  	_ =	swait.ge [sflag:s3], $0x10000  }
0xb9: {  	[sflag:s3] =	ssyncset.done $0x0  }
0xba: {  	[sflag:s3] =	ssyncadd.s32 $0xFFFF0000  }
0xbb: {  	[tilespmem:s2], [sflag:$0x2] =	stream.linear.gather [hbm4b:s21+s2], $0x200, $0x38;
	[tilespmem:$0x10200] =	vst v63  }
0xbc: {  	_ =	swait.ge [sflag:s3], $0x200  }
0xbd: {  	[sflag:s3] =	ssyncset.done $0x0  }
0xbe: {  	[sflag:s3] =	ssyncadd.s32 $0xFFFFFE00  }
0xbf: {  	[tilespmem:s6], [sflag:$0x1] =	stream.indirect.gather [hbm4b:s5+s6], $0x80, s2, s6, $0xb8;
	[tilespmem:$0x10200] =	vst v63  }
0xc0: {  	_ =	swait.ge [sflag:s7], $0x10000  }
.Ltmp1:
0xc1: {  	[sflag:s7] =	ssyncset.done $0x0;
	(pc) =	sbr.rel @p0 .LBB2_1-.Ltmp1, $4  }
0xc2: {  	[sflag:s7] =	ssyncadd.s32 $0xFFFF0000  }
0xc3: {  	[hbm4b:s22+s2] =	stream.linear.scatter [tilespmem:s6], [sflag:$0x2], $0x10000, $0x38;
	[tilespmem:$0x10200] =	vst v63  }
0xc4: {  	_ =	swait.ge [sflag:s3], $0x10000  }
0xc5: {  	[sflag:s3] =	ssyncset.done $0x0  }
.LBB2_2:
0xc6: {  	[sflag:s3] =	ssyncadd.s32 $0xFFFF0000  }
0xc7: {  	_ =	sfence.sel $0x180000  }
0xc8: {  	[bflag:$0x0] =	sbarrier.arrive $0xFFFF  }
0xc9: {  	p0 =	sne.s32 s0, $0x0;
	_ =	strace $0x90000047  }
0xca: {  	s0 =	sadd.s32 @!p0 $0x100000, s1;
	[bflag:$0x2] =	sbarrier.arrive $0xFFFF  }
0xcb: {  	[sflag:s0] =	ssyncadd.tile.s32 @!p0 $0x1;
	_ =	shalt  }
.Lfunc_end2:
_tile_overlayer_lowered:
.L_overlay_start_2:
0xcc: {  	(tag) =	ssettag $0x2  }
0xcd: {  	s0 =	rddreg [dreg:$0x0];
	s2 =	stileid.u32  }
0xce: {  	s1 =	rddreg [dreg:$0x1];
	p0 =	sne.s32 s2, $0x0  }
0xcf: {  	s3 =	rddreg [dreg:$0x2];
	[bflag:$0x3] =	sbarrier.arrive $0xFFFF;
	s2 =	simm.s32 @!p0 $0x1C02  }
0xd0: {  	[timem:s3], [sflag:s2] =	dma.local @!p0 [hbm:s0], s1  }
0xd1: {  	s0 =	simm.s32 @!p0 $0x2  }
0xd2: {  	_ =	swait.ge @!p0 [sflag:s0], s1  }
0xd3: {  	s1 =	ssub.s32 @!p0 $0x0, s1;
	[sflag:s0] =	ssyncset.done @!p0 $0x0  }
0xd4: {  	[sflag:s0] =	ssyncadd.s32 @!p0 s1  }
0xd5: {  	[bflag:$0x3] =	sbarrier.arrive $0xFFFF  }
0xd6: {  	_ =	shalt  }

</sc_bundles>
